<compile_context>
chip_gen: v7x
topology: tpu7x:2x2x1
jax: 0.10.2.dev20260603
libtpu: 0.0.44.dev20260713+nightly
codegen_flags: <defaults>
</compile_context>

<pallas_src>
import jax
import jax.numpy as jnp
from jax import lax
from jax.experimental import pallas as pl
from jax.experimental.pallas import tpu as pltpu
from jax.experimental.pallas import tpu_sc as plsc

N = 32768
NUM_SEG = 128
NUM_STATS = 6
L = 16
NC, NS = 2, 16
NW = NC * NS
CHUNK = N // NW
RED = NUM_STATS * NUM_SEG


def _sc_body(pred_hbm, y_hbm, dates_hbm, out_hbm,
             pred_v, y_v, dates_v, hist_v, red_v, sem):
    wid = lax.axis_index("c") * NS + lax.axis_index("s")
    base = wid * CHUNK

    cp_p = pltpu.async_copy(pred_hbm.at[pl.ds(base, CHUNK)], pred_v, sem)
    cp_y = pltpu.async_copy(y_hbm.at[pl.ds(base, CHUNK)], y_v, sem)
    cp_d = pltpu.async_copy(dates_hbm.at[pl.ds(base, CHUNK)], dates_v, sem)

    lane = lax.iota(jnp.int32, L)
    zeros = jnp.zeros((L,), jnp.float32)
    ones = jnp.ones((L,), jnp.float32)

    @plsc.parallel_loop(0, RED // L, unroll=8)
    def _zero_red(g):
        red_v[pl.ds(g * L, L)] = zeros

    cp_p.wait()
    cp_y.wait()
    cp_d.wait()

    d_lo = jnp.min(dates_v[pl.ds(0, L)])
    d_hi = jnp.max(dates_v[pl.ds(CHUNK - L, L)])

    def zero_blk(dr, _):
        for st in range(NUM_STATS):
            hist_v[dr + st * NUM_SEG, :] = zeros
        return 0
    lax.fori_loop(d_lo, d_hi + 1, zero_blk, 0)

    @plsc.parallel_loop(0, CHUNK // L, unroll=4)
    def _accum(j):
        p = pred_v[pl.ds(j * L, L)]
        t = y_v[pl.ds(j * L, L)]
        d = dates_v[pl.ds(j * L, L)]
        plsc.addupdate_scatter(hist_v, [d, lane], ones)
        plsc.addupdate_scatter(hist_v, [d + NUM_SEG, lane], p)
        plsc.addupdate_scatter(hist_v, [d + 2 * NUM_SEG, lane], t)
        plsc.addupdate_scatter(hist_v, [d + 3 * NUM_SEG, lane], p * p)
        plsc.addupdate_scatter(hist_v, [d + 4 * NUM_SEG, lane], t * t)
        plsc.addupdate_scatter(hist_v, [d + 5 * NUM_SEG, lane], p * t)

    last = lane == (L - 1)

    def reduce_blk(dr, _):
        for st in range(NUM_STATS):
            g = dr + st * NUM_SEG
            s = plsc.cumsum(hist_v[g, :])
            plsc.store_scatter(red_v, [jnp.full((L,), g, jnp.int32)], s,
                               mask=last)
        return 0
    lax.fori_loop(d_lo, d_hi + 1, reduce_blk, 0)

    pltpu.sync_copy(red_v, out_hbm.at[wid])


def _sc_hist(pred, y, dates):
    mesh = plsc.VectorSubcoreMesh(core_axis_name="c", subcore_axis_name="s")
    f = pl.kernel(
        _sc_body, mesh=mesh,
        out_type=jax.ShapeDtypeStruct((NW, RED), jnp.float32),
        compiler_params=pltpu.CompilerParams(needs_layout_passes=False),
        scratch_types=[
            pltpu.VMEM((CHUNK,), jnp.float32),
            pltpu.VMEM((CHUNK,), jnp.float32),
            pltpu.VMEM((CHUNK,), jnp.int32),
            pltpu.VMEM((RED, L), jnp.float32),
            pltpu.VMEM((RED,), jnp.float32),
            pltpu.SemaphoreType.DMA,
        ],
    )
    return f(pred, y, dates)


def _tc_combine_body(part_ref, skip_ref, out_ref):
    EPS = 1e-12
    n = jnp.sum(part_ref[:, 0:128], axis=0, keepdims=True)
    sp = jnp.sum(part_ref[:, 128:256], axis=0, keepdims=True)
    sy = jnp.sum(part_ref[:, 256:384], axis=0, keepdims=True)
    spp = jnp.sum(part_ref[:, 384:512], axis=0, keepdims=True)
    syy = jnp.sum(part_ref[:, 512:640], axis=0, keepdims=True)
    spy = jnp.sum(part_ref[:, 640:768], axis=0, keepdims=True)
    safe_n = jnp.maximum(n, 1.0)
    safe_nm1 = jnp.maximum(n - 1.0, 1.0)
    pm = sp / safe_n
    ym = sy / safe_n
    pvar = jnp.maximum((spp - n * pm * pm) / safe_nm1, 0.0)
    yvar = jnp.maximum((syy - n * ym * ym) / safe_nm1, 0.0)
    pstd = jnp.where(pvar > 0.0, jnp.sqrt(jnp.where(pvar > 0.0, pvar, 1.0)), 0.0)
    ystd = jnp.where(yvar > 0.0, jnp.sqrt(jnp.where(yvar > 0.0, yvar, 1.0)), 0.0)
    cross = spy - n * pm * ym
    valid = (n >= skip_ref[0, 0]) & (pstd >= EPS) & (ystd >= EPS)
    denom = jnp.where(valid, n * pstd * ystd, 1.0)
    ic = jnp.where(valid, cross / denom, 0.0)
    num_valid = jnp.sum(valid.astype(jnp.float32))
    out_ref[:, :] = (-jnp.sum(ic) / num_valid).reshape(1, 1)


def _tc_combine(partials, skip):
    return pl.pallas_call(
        _tc_combine_body,
        out_shape=jax.ShapeDtypeStruct((1, 1), jnp.float32),
    )(partials, skip)


def kernel(pred, y, idx, skip_size):
    dates = idx[:, 0].astype(jnp.int32)
    partials = _sc_hist(pred, y, dates)
    skip = jnp.asarray(skip_size, jnp.float32).reshape(1, 1)
    out = _tc_combine(partials, skip)
    return out[0, 0]

# --- scband reference (transcript-rebuilt; emitter-appended) ---
"""Pipeline reference for scband-icloss-22857815949971 (READ-ONLY COPY).

The authoritative reference and input builder live on the scoring server;
editing this copy changes nothing except your own understanding.
"""

import jax, jax.numpy as jnp
import numpy as np

N = 32768
NUM_SEG = 128

def setup_inputs(seed: int = 0):
    key = jax.random.key(seed)
    k1, k2, k3 = jax.random.split(key, 3)
    pred = jax.random.normal(k1, (N,), dtype=jnp.float32)
    y = jax.random.normal(k2, (N,), dtype=jnp.float32)
    flat = jnp.sort(jax.random.randint(k3, (N * 2,), 0, NUM_SEG))
    idx = flat.reshape(N, 2)
    return {"pred": pred, "y": y, "idx": idx, "skip_size": 50}

def reference(pred, y, idx, skip_size=50):
    EPS = 1e-12
    dates = idx[:, 0]
    change = jnp.concatenate([jnp.zeros((1,), dtype=jnp.int32), (dates[1:] != dates[:-1]).astype(jnp.int32)])
    seg = jnp.cumsum(change)
    ones = jnp.ones_like(pred)
    n = jax.ops.segment_sum(ones, seg, num_segments=NUM_SEG)
    sp = jax.ops.segment_sum(pred, seg, num_segments=NUM_SEG)
    sy = jax.ops.segment_sum(y, seg, num_segments=NUM_SEG)
    spp = jax.ops.segment_sum(pred * pred, seg, num_segments=NUM_SEG)
    syy = jax.ops.segment_sum(y * y, seg, num_segments=NUM_SEG)
    spy = jax.ops.segment_sum(pred * y, seg, num_segments=NUM_SEG)
    safe_n = jnp.maximum(n, 1.0)
    safe_nm1 = jnp.maximum(n - 1.0, 1.0)
    pm = sp / safe_n
    ym = sy / safe_n
    pvar = jnp.maximum((spp - n * pm * pm) / safe_nm1, 0.0)
    yvar = jnp.maximum((syy - n * ym * ym) / safe_nm1, 0.0)
    pvar_safe = jnp.where(pvar > 0.0, pvar, 1.0)
    yvar_safe = jnp.where(yvar > 0.0, yvar, 1.0)
    pstd = jnp.where(pvar > 0.0, jnp.sqrt(pvar_safe), 0.0)
    ystd = jnp.where(yvar > 0.0, jnp.sqrt(yvar_safe), 0.0)
    cross = spy - n * pm * ym
    valid = (n >= skip_size) & (pstd >= EPS) & (ystd >= EPS)
    denom = jnp.where(valid, n * pstd * ystd, 1.0)
    ic = jnp.where(valid, cross / denom, 0.0)
    num_valid = jnp.sum(valid.astype(jnp.float32))
    return -jnp.sum(ic) / num_valid

if __name__ == "__main__":
    import jax
    _d = setup_inputs()
    print(jax.jit(kernel)(*tuple(_d.values())))

</pallas_src>

<mosaic_0001>
#map = affine_map<(d0, d1) -> (0)>
#map1 = affine_map<(d0, d1) -> (0, 0)>
module attributes {stable_mosaic.version = 14 : i64} {
  func.func @_sc_body(%arg0: i32, %arg1: i32, %arg2: memref<32768xf32, #tpu.memory_space<hbm>>, %arg3: memref<32768xf32, #tpu.memory_space<hbm>>, %arg4: memref<32768xi32, #tpu.memory_space<hbm>>, %arg5: memref<32x768xf32, #tpu.memory_space<hbm>>, %arg6: memref<1024xf32, #tpu.memory_space<vmem>>, %arg7: memref<1024xf32, #tpu.memory_space<vmem>>, %arg8: memref<1024xi32, #tpu.memory_space<vmem>>, %arg9: memref<768x16xf32, #tpu.memory_space<vmem>>, %arg10: memref<768xf32, #tpu.memory_space<vmem>>, %arg11: memref<!tpu.dma_semaphore, #tpu.memory_space<semaphore_mem>>) attributes {dimension_semantics = [#tpu.dimension_semantics<core_parallel>, #tpu.dimension_semantics<subcore_parallel>], iteration_bounds = array<i64: 2, 16>, scalar_prefetch = 0 : i64, scratch_operands = 6 : i64, tpu.core_type = #tpu.core_type<sc_vector_subcore>, window_params = [{transform_indices = #map}, {transform_indices = #map}, {transform_indices = #map}, {transform_indices = #map1}]} {
    %mul3A = arith.constant 16 : i32
    %mul3A_0 = arith.muli %arg0, %mul3A : i32
    %add3A = arith.addi %mul3A_0, %arg1 : i32
    %mul3A_1 = arith.constant 1024 : i32
    %mul3A_2 = arith.muli %add3A, %mul3A_1 : i32
    %dma_start3A = tpu.memref_slice %arg2[%mul3A_2] : memref<32768xf32, #tpu.memory_space<hbm>> -> memref<1024xf32, #tpu.memory_space<hbm>>
    %dma_start3A_3 = tpu.memref_slice %arg2[%mul3A_2] : memref<32768xf32, #tpu.memory_space<hbm>> -> memref<1024xf32, #tpu.memory_space<hbm>>
    tpu.enqueue_dma source(%dma_start3A_3 : memref<1024xf32, #tpu.memory_space<hbm>>) target(%arg6 : memref<1024xf32, #tpu.memory_space<vmem>>) target_semaphore(%arg11 : memref<!tpu.dma_semaphore, #tpu.memory_space<semaphore_mem>>)
    %dma_start3A_4 = tpu.memref_slice %arg3[%mul3A_2] : memref<32768xf32, #tpu.memory_space<hbm>> -> memref<1024xf32, #tpu.memory_space<hbm>>
    %dma_start3A_5 = tpu.memref_slice %arg3[%mul3A_2] : memref<32768xf32, #tpu.memory_space<hbm>> -> memref<1024xf32, #tpu.memory_space<hbm>>
    tpu.enqueue_dma source(%dma_start3A_5 : memref<1024xf32, #tpu.memory_space<hbm>>) target(%arg7 : memref<1024xf32, #tpu.memory_space<vmem>>) target_semaphore(%arg11 : memref<!tpu.dma_semaphore, #tpu.memory_space<semaphore_mem>>)
    %dma_start3A_6 = tpu.memref_slice %arg4[%mul3A_2] : memref<32768xi32, #tpu.memory_space<hbm>> -> memref<1024xi32, #tpu.memory_space<hbm>>
    %dma_start3A_7 = tpu.memref_slice %arg4[%mul3A_2] : memref<32768xi32, #tpu.memory_space<hbm>> -> memref<1024xi32, #tpu.memory_space<hbm>>
    tpu.enqueue_dma source(%dma_start3A_7 : memref<1024xi32, #tpu.memory_space<hbm>>) target(%arg8 : memref<1024xi32, #tpu.memory_space<vmem>>) target_semaphore(%arg11 : memref<!tpu.dma_semaphore, #tpu.memory_space<semaphore_mem>>)
    %iota3A = tpu.iota {dimensions = array<i32: 0>} : vector<16xi32>
    %broadcast_in_dim3A = arith.constant 0.000000e+00 : f32
    %broadcast_in_dim3A_8 = vector.broadcast %broadcast_in_dim3A : f32 to vector<16xf32>
    %broadcast_in_dim3A_9 = arith.constant 1.000000e+00 : f32
    %broadcast_in_dim3A_10 = vector.broadcast %broadcast_in_dim3A_9 : f32 to vector<16xf32>
    %parallel_loop3A = arith.constant 0 : i32
    %parallel_loop3A_11 = arith.constant 48 : i32
    %parallel_loop3A_12 = arith.constant 1 : i32
    scf.for %parallel_loop3A_65 = %parallel_loop3A to %parallel_loop3A_11 step %parallel_loop3A_12  : i32 {
      %parallel_loop3A_66 = arith.constant 16 : i32
      %parallel_loop3A_67 = arith.muli %parallel_loop3A_65, %parallel_loop3A_66 : i32
      %parallel_loop3A_68 = arith.index_cast %parallel_loop3A_67 : i32 to index
      %parallel_loop3A_69 = tpu.vector_load %arg10[%parallel_loop3A_68] {strides = array<i32>} : memref<768xf32, #tpu.memory_space<vmem>>, vector<16xf32>,
      tpu.vector_store %arg10[%parallel_loop3A_68], %broadcast_in_dim3A_8 {strides = array<i32>} : memref<768xf32, #tpu.memory_space<vmem>>, vector<16xf32>,
    } {sc.loop_unroll_factor = 8 : i64, sc.parallel_access}
    %dma_wait3A = tpu.memref_slice %arg2[%mul3A_2] : memref<32768xf32, #tpu.memory_space<hbm>> -> memref<1024xf32, #tpu.memory_space<hbm>>
    %dma_wait3A_13 = tpu.memref_slice %arg2[%mul3A_2] : memref<32768xf32, #tpu.memory_space<hbm>> -> memref<1024xf32, #tpu.memory_space<hbm>>
    tpu.wait_dma2 semaphore(%arg11 : memref<!tpu.dma_semaphore, #tpu.memory_space<semaphore_mem>>) src(%dma_wait3A_13 : memref<1024xf32, #tpu.memory_space<hbm>>) dst(%arg6 : memref<1024xf32, #tpu.memory_space<vmem>>)
    %dma_wait3A_14 = tpu.memref_slice %arg3[%mul3A_2] : memref<32768xf32, #tpu.memory_space<hbm>> -> memref<1024xf32, #tpu.memory_space<hbm>>
    %dma_wait3A_15 = tpu.memref_slice %arg3[%mul3A_2] : memref<32768xf32, #tpu.memory_space<hbm>> -> memref<1024xf32, #tpu.memory_space<hbm>>
    tpu.wait_dma2 semaphore(%arg11 : memref<!tpu.dma_semaphore, #tpu.memory_space<semaphore_mem>>) src(%dma_wait3A_15 : memref<1024xf32, #tpu.memory_space<hbm>>) dst(%arg7 : memref<1024xf32, #tpu.memory_space<vmem>>)
    %dma_wait3A_16 = tpu.memref_slice %arg4[%mul3A_2] : memref<32768xi32, #tpu.memory_space<hbm>> -> memref<1024xi32, #tpu.memory_space<hbm>>
    %dma_wait3A_17 = tpu.memref_slice %arg4[%mul3A_2] : memref<32768xi32, #tpu.memory_space<hbm>> -> memref<1024xi32, #tpu.memory_space<hbm>>
    tpu.wait_dma2 semaphore(%arg11 : memref<!tpu.dma_semaphore, #tpu.memory_space<semaphore_mem>>) src(%dma_wait3A_17 : memref<1024xi32, #tpu.memory_space<hbm>>) dst(%arg8 : memref<1024xi32, #tpu.memory_space<vmem>>)
    %get3A = arith.constant 0 : index
    %get3A_18 = tpu.vector_load %arg8[%get3A] {strides = array<i32>} : memref<1024xi32, #tpu.memory_space<vmem>>, vector<16xi32>,
    %reduce_min3A = arith.constant true
    %reduce_min3A_19 = vector.broadcast %reduce_min3A : i1 to vector<16xi1>
    %reduce_min3A_20 = arith.constant -2147483648 : i32
    %reduce_min3A_21 = vector.broadcast %reduce_min3A_20 : i32 to vector<16xi32>
    %reduce_min3A_22 = arith.xori %get3A_18, %reduce_min3A_21 : vector<16xi32>
    %reduce_min3A_23 = tpu.scan <min>, %reduce_min3A_22 masked %reduce_min3A_19 : vector<16xi32>, vector<16xi1> -> vector<16xi32>
    %reduce_min3A_24 = arith.xori %reduce_min3A_23, %reduce_min3A_21 : vector<16xi32>
    %reduce_min3A_25 = vector.extract %reduce_min3A_24[15] : i32 from vector<16xi32>
    %get3A_26 = arith.constant 1008 : index
    %get3A_27 = tpu.vector_load %arg8[%get3A_26] {strides = array<i32>} : memref<1024xi32, #tpu.memory_space<vmem>>, vector<16xi32>,
    %reduce_max3A = arith.constant true
    %reduce_max3A_28 = vector.broadcast %reduce_max3A : i1 to vector<16xi1>
    %reduce_max3A_29 = arith.constant -2147483648 : i32
    %reduce_max3A_30 = vector.broadcast %reduce_max3A_29 : i32 to vector<16xi32>
    %reduce_max3A_31 = arith.xori %get3A_27, %reduce_max3A_30 : vector<16xi32>
    %reduce_max3A_32 = tpu.scan <max>, %reduce_max3A_31 masked %reduce_max3A_28 : vector<16xi32>, vector<16xi1> -> vector<16xi32>
    %reduce_max3A_33 = arith.xori %reduce_max3A_32, %reduce_max3A_30 : vector<16xi32>
    %reduce_max3A_34 = vector.extract %reduce_max3A_33[15] : i32 from vector<16xi32>
    %add3A_35 = arith.constant 1 : i32
    %add3A_36 = arith.addi %reduce_max3A_34, %add3A_35 : i32
    %while3A = arith.constant 0 : i32
    %while3A_37 = arith.subi %add3A_36, %reduce_min3A_25 : i32
    %while3A_38 = arith.addi %reduce_min3A_25, %while3A_37 : i32
    %while3A_39 = arith.constant 1 : i32
    %while3A_40 = arith.divsi %while3A_37, %while3A_39 : i32
    %while3A_41 = arith.muli %while3A_40, %while3A_39 : i32
    %while3A_42 = arith.addi %reduce_min3A_25, %while3A_41 : i32
    %while3A_43 = arith.constant 1 : i32
    %while3A_44 = scf.for %while3A_65 = %reduce_min3A_25 to %while3A_42 step %while3A_43 iter_args(%while3A_66 = %while3A) -> (i32)  : i32 {
      %add3A_67 = arith.constant 0 : i32
      %add3A_68 = arith.addi %while3A_65, %add3A_67 : i32
      %swap3A = arith.index_cast %add3A_68 : i32 to index
      %swap3A_69 = arith.constant 0 : index
      %swap3A_70 = tpu.vector_load %arg9[%swap3A, %swap3A_69] {strides = array<i32>} : memref<768x16xf32, #tpu.memory_space<vmem>>, vector<16xf32>,
      tpu.vector_store %arg9[%swap3A, %swap3A_69], %broadcast_in_dim3A_8 {strides = array<i32>} : memref<768x16xf32, #tpu.memory_space<vmem>>, vector<16xf32>,
      %add3A_71 = arith.constant 128 : i32
      %add3A_72 = arith.addi %while3A_65, %add3A_71 : i32
      %swap3A_73 = arith.index_cast %add3A_72 : i32 to index
      %swap3A_74 = arith.constant 0 : index
      %swap3A_75 = tpu.vector_load %arg9[%swap3A_73, %swap3A_74] {strides = array<i32>} : memref<768x16xf32, #tpu.memory_space<vmem>>, vector<16xf32>,
      tpu.vector_store %arg9[%swap3A_73, %swap3A_74], %broadcast_in_dim3A_8 {strides = array<i32>} : memref<768x16xf32, #tpu.memory_space<vmem>>, vector<16xf32>,
      %add3A_76 = arith.constant 256 : i32
      %add3A_77 = arith.addi %while3A_65, %add3A_76 : i32
      %swap3A_78 = arith.index_cast %add3A_77 : i32 to index
      %swap3A_79 = arith.constant 0 : index
      %swap3A_80 = tpu.vector_load %arg9[%swap3A_78, %swap3A_79] {strides = array<i32>} : memref<768x16xf32, #tpu.memory_space<vmem>>, vector<16xf32>,
      tpu.vector_store %arg9[%swap3A_78, %swap3A_79], %broadcast_in_dim3A_8 {strides = array<i32>} : memref<768x16xf32, #tpu.memory_space<vmem>>, vector<16xf32>,
      %add3A_81 = arith.constant 384 : i32
      %add3A_82 = arith.addi %while3A_65, %add3A_81 : i32
      %swap3A_83 = arith.index_cast %add3A_82 : i32 to index
      %swap3A_84 = arith.constant 0 : index
      %swap3A_85 = tpu.vector_load %arg9[%swap3A_83, %swap3A_84] {strides = array<i32>} : memref<768x16xf32, #tpu.memory_space<vmem>>, vector<16xf32>,
      tpu.vector_store %arg9[%swap3A_83, %swap3A_84], %broadcast_in_dim3A_8 {strides = array<i32>} : memref<768x16xf32, #tpu.memory_space<vmem>>, vector<16xf32>,
      %add3A_86 = arith.constant 512 : i32
      %add3A_87 = arith.addi %while3A_65, %add3A_86 : i32
      %swap3A_88 = arith.index_cast %add3A_87 : i32 to index
      %swap3A_89 = arith.constant 0 : index
      %swap3A_90 = tpu.vector_load %arg9[%swap3A_88, %swap3A_89] {strides = array<i32>} : memref<768x16xf32, #tpu.memory_space<vmem>>, vector<16xf32>,
      tpu.vector_store %arg9[%swap3A_88, %swap3A_89], %broadcast_in_dim3A_8 {strides = array<i32>} : memref<768x16xf32, #tpu.memory_space<vmem>>, vector<16xf32>,
      %add3A_91 = arith.constant 640 : i32
      %add3A_92 = arith.addi %while3A_65, %add3A_91 : i32
      %swap3A_93 = arith.index_cast %add3A_92 : i32 to index
      %swap3A_94 = arith.constant 0 : index
      %swap3A_95 = tpu.vector_load %arg9[%swap3A_93, %swap3A_94] {strides = array<i32>} : memref<768x16xf32, #tpu.memory_space<vmem>>, vector<16xf32>,
      tpu.vector_store %arg9[%swap3A_93, %swap3A_94], %broadcast_in_dim3A_8 {strides = array<i32>} : memref<768x16xf32, #tpu.memory_space<vmem>>, vector<16xf32>,
      %while3A_96 = arith.constant 0 : i32
      scf.yield %while3A_96 : i32
    }
    %while3A_45 = arith.constant 1 : i32
    %while3A_46 = scf.for %while3A_65 = %while3A_42 to %while3A_38 step %while3A_45 iter_args(%while3A_66 = %while3A_44) -> (i32)  : i32 {
      %add3A_67 = arith.constant 0 : i32
      %add3A_68 = arith.addi %while3A_65, %add3A_67 : i32
      %swap3A = arith.index_cast %add3A_68 : i32 to index
      %swap3A_69 = arith.constant 0 : index
      %swap3A_70 = tpu.vector_load %arg9[%swap3A, %swap3A_69] {strides = array<i32>} : memref<768x16xf32, #tpu.memory_space<vmem>>, vector<16xf32>,
      tpu.vector_store %arg9[%swap3A, %swap3A_69], %broadcast_in_dim3A_8 {strides = array<i32>} : memref<768x16xf32, #tpu.memory_space<vmem>>, vector<16xf32>,
      %add3A_71 = arith.constant 128 : i32
      %add3A_72 = arith.addi %while3A_65, %add3A_71 : i32
      %swap3A_73 = arith.index_cast %add3A_72 : i32 to index
      %swap3A_74 = arith.constant 0 : index
      %swap3A_75 = tpu.vector_load %arg9[%swap3A_73, %swap3A_74] {strides = array<i32>} : memref<768x16xf32, #tpu.memory_space<vmem>>, vector<16xf32>,
      tpu.vector_store %arg9[%swap3A_73, %swap3A_74], %broadcast_in_dim3A_8 {strides = array<i32>} : memref<768x16xf32, #tpu.memory_space<vmem>>, vector<16xf32>,
      %add3A_76 = arith.constant 256 : i32
      %add3A_77 = arith.addi %while3A_65, %add3A_76 : i32
      %swap3A_78 = arith.index_cast %add3A_77 : i32 to index
      %swap3A_79 = arith.constant 0 : index
      %swap3A_80 = tpu.vector_load %arg9[%swap3A_78, %swap3A_79] {strides = array<i32>} : memref<768x16xf32, #tpu.memory_space<vmem>>, vector<16xf32>,
      tpu.vector_store %arg9[%swap3A_78, %swap3A_79], %broadcast_in_dim3A_8 {strides = array<i32>} : memref<768x16xf32, #tpu.memory_space<vmem>>, vector<16xf32>,
      %add3A_81 = arith.constant 384 : i32
      %add3A_82 = arith.addi %while3A_65, %add3A_81 : i32
      %swap3A_83 = arith.index_cast %add3A_82 : i32 to index
      %swap3A_84 = arith.constant 0 : index
      %swap3A_85 = tpu.vector_load %arg9[%swap3A_83, %swap3A_84] {strides = array<i32>} : memref<768x16xf32, #tpu.memory_space<vmem>>, vector<16xf32>,
      tpu.vector_store %arg9[%swap3A_83, %swap3A_84], %broadcast_in_dim3A_8 {strides = array<i32>} : memref<768x16xf32, #tpu.memory_space<vmem>>, vector<16xf32>,
      %add3A_86 = arith.constant 512 : i32
      %add3A_87 = arith.addi %while3A_65, %add3A_86 : i32
      %swap3A_88 = arith.index_cast %add3A_87 : i32 to index
      %swap3A_89 = arith.constant 0 : index
      %swap3A_90 = tpu.vector_load %arg9[%swap3A_88, %swap3A_89] {strides = array<i32>} : memref<768x16xf32, #tpu.memory_space<vmem>>, vector<16xf32>,
      tpu.vector_store %arg9[%swap3A_88, %swap3A_89], %broadcast_in_dim3A_8 {strides = array<i32>} : memref<768x16xf32, #tpu.memory_space<vmem>>, vector<16xf32>,
      %add3A_91 = arith.constant 640 : i32
      %add3A_92 = arith.addi %while3A_65, %add3A_91 : i32
      %swap3A_93 = arith.index_cast %add3A_92 : i32 to index
      %swap3A_94 = arith.constant 0 : index
      %swap3A_95 = tpu.vector_load %arg9[%swap3A_93, %swap3A_94] {strides = array<i32>} : memref<768x16xf32, #tpu.memory_space<vmem>>, vector<16xf32>,
      tpu.vector_store %arg9[%swap3A_93, %swap3A_94], %broadcast_in_dim3A_8 {strides = array<i32>} : memref<768x16xf32, #tpu.memory_space<vmem>>, vector<16xf32>,
      %while3A_96 = arith.constant 0 : i32
      scf.yield %while3A_96 : i32
    }
    %parallel_loop3A_47 = arith.constant 0 : i32
    %parallel_loop3A_48 = arith.constant 64 : i32
    %parallel_loop3A_49 = arith.constant 1 : i32
    scf.for %parallel_loop3A_65 = %parallel_loop3A_47 to %parallel_loop3A_48 step %parallel_loop3A_49  : i32 {
      %parallel_loop3A_66 = arith.constant 16 : i32
      %parallel_loop3A_67 = arith.muli %parallel_loop3A_65, %parallel_loop3A_66 : i32
      %parallel_loop3A_68 = arith.index_cast %parallel_loop3A_67 : i32 to index
      %parallel_loop3A_69 = tpu.vector_load %arg6[%parallel_loop3A_68] {strides = array<i32>} : memref<1024xf32, #tpu.memory_space<vmem>>, vector<16xf32>,
      %parallel_loop3A_70 = arith.constant 16 : i32
      %parallel_loop3A_71 = arith.muli %parallel_loop3A_65, %parallel_loop3A_70 : i32
      %parallel_loop3A_72 = arith.index_cast %parallel_loop3A_71 : i32 to index
      %parallel_loop3A_73 = tpu.vector_load %arg7[%parallel_loop3A_72] {strides = array<i32>} : memref<1024xf32, #tpu.memory_space<vmem>>, vector<16xf32>,
      %parallel_loop3A_74 = arith.constant 16 : i32
      %parallel_loop3A_75 = arith.muli %parallel_loop3A_65, %parallel_loop3A_74 : i32
      %parallel_loop3A_76 = arith.index_cast %parallel_loop3A_75 : i32 to index
      %parallel_loop3A_77 = tpu.vector_load %arg8[%parallel_loop3A_76] {strides = array<i32>} : memref<1024xi32, #tpu.memory_space<vmem>>, vector<16xi32>,
      tpu.vector_store_idx %arg9[%parallel_loop3A_77, %iota3A], %broadcast_in_dim3A_10 {add = true} : memref<768x16xf32, #tpu.memory_space<vmem>>[vector<16xi32>, vector<16xi32>], vector<16xf32>,
      %parallel_loop3A_78 = arith.constant 128 : i32
      %parallel_loop3A_79 = vector.broadcast %parallel_loop3A_78 : i32 to vector<16xi32>
      %parallel_loop3A_80 = arith.addi %parallel_loop3A_77, %parallel_loop3A_79 : vector<16xi32>
      tpu.vector_store_idx %arg9[%parallel_loop3A_80, %iota3A], %parallel_loop3A_69 {add = true} : memref<768x16xf32, #tpu.memory_space<vmem>>[vector<16xi32>, vector<16xi32>], vector<16xf32>,
      %parallel_loop3A_81 = arith.constant 256 : i32
      %parallel_loop3A_82 = vector.broadcast %parallel_loop3A_81 : i32 to vector<16xi32>
      %parallel_loop3A_83 = arith.addi %parallel_loop3A_77, %parallel_loop3A_82 : vector<16xi32>
      tpu.vector_store_idx %arg9[%parallel_loop3A_83, %iota3A], %parallel_loop3A_73 {add = true} : memref<768x16xf32, #tpu.memory_space<vmem>>[vector<16xi32>, vector<16xi32>], vector<16xf32>,
      %parallel_loop3A_84 = arith.constant 384 : i32
      %parallel_loop3A_85 = vector.broadcast %parallel_loop3A_84 : i32 to vector<16xi32>
      %parallel_loop3A_86 = arith.addi %parallel_loop3A_77, %parallel_loop3A_85 : vector<16xi32>
      %parallel_loop3A_87 = arith.mulf %parallel_loop3A_69, %parallel_loop3A_69 : vector<16xf32>
      tpu.vector_store_idx %arg9[%parallel_loop3A_86, %iota3A], %parallel_loop3A_87 {add = true} : memref<768x16xf32, #tpu.memory_space<vmem>>[vector<16xi32>, vector<16xi32>], vector<16xf32>,
      %parallel_loop3A_88 = arith.constant 512 : i32
      %parallel_loop3A_89 = vector.broadcast %parallel_loop3A_88 : i32 to vector<16xi32>
      %parallel_loop3A_90 = arith.addi %parallel_loop3A_77, %parallel_loop3A_89 : vector<16xi32>
      %parallel_loop3A_91 = arith.mulf %parallel_loop3A_73, %parallel_loop3A_73 : vector<16xf32>
      tpu.vector_store_idx %arg9[%parallel_loop3A_90, %iota3A], %parallel_loop3A_91 {add = true} : memref<768x16xf32, #tpu.memory_space<vmem>>[vector<16xi32>, vector<16xi32>], vector<16xf32>,
      %parallel_loop3A_92 = arith.constant 640 : i32
      %parallel_loop3A_93 = vector.broadcast %parallel_loop3A_92 : i32 to vector<16xi32>
      %parallel_loop3A_94 = arith.addi %parallel_loop3A_77, %parallel_loop3A_93 : vector<16xi32>
      %parallel_loop3A_95 = arith.mulf %parallel_loop3A_69, %parallel_loop3A_73 : vector<16xf32>
      tpu.vector_store_idx %arg9[%parallel_loop3A_94, %iota3A], %parallel_loop3A_95 {add = true} : memref<768x16xf32, #tpu.memory_space<vmem>>[vector<16xi32>, vector<16xi32>], vector<16xf32>,
    } {sc.loop_unroll_factor = 4 : i64, sc.parallel_access}
    %eq3A = arith.constant 15 : i32
    %eq3A_50 = vector.broadcast %eq3A : i32 to vector<16xi32>
    %eq3A_51 = arith.cmpi eq, %iota3A, %eq3A_50 : vector<16xi32>
    %add3A_52 = arith.constant 1 : i32
    %add3A_53 = arith.addi %reduce_max3A_34, %add3A_52 : i32
    %while3A_54 = arith.constant 0 : i32
    %while3A_55 = arith.subi %add3A_53, %reduce_min3A_25 : i32
    %while3A_56 = arith.addi %reduce_min3A_25, %while3A_55 : i32
    %while3A_57 = arith.constant 1 : i32
    %while3A_58 = arith.divsi %while3A_55, %while3A_57 : i32
    %while3A_59 = arith.muli %while3A_58, %while3A_57 : i32
    %while3A_60 = arith.addi %reduce_min3A_25, %while3A_59 : i32
    %while3A_61 = arith.constant 1 : i32
    %while3A_62 = scf.for %while3A_65 = %reduce_min3A_25 to %while3A_60 step %while3A_61 iter_args(%while3A_66 = %while3A_54) -> (i32)  : i32 {
      %add3A_67 = arith.constant 0 : i32
      %add3A_68 = arith.addi %while3A_65, %add3A_67 : i32
      %get3A_69 = arith.index_cast %add3A_68 : i32 to index
      %get3A_70 = arith.constant 0 : index
      %get3A_71 = tpu.vector_load %arg9[%get3A_69, %get3A_70] {strides = array<i32>} : memref<768x16xf32, #tpu.memory_space<vmem>>, vector<16xf32>,
      %broadcast_in_dim3A_72 = arith.constant true
      %broadcast_in_dim3A_73 = vector.broadcast %broadcast_in_dim3A_72 : i1 to vector<16xi1>
      %masked_cumsum3A = tpu.scan <sum>, %get3A_71 masked %broadcast_in_dim3A_73 : vector<16xf32>, vector<16xi1> -> vector<16xf32>
      %broadcast_in_dim3A_74 = vector.broadcast %add3A_68 : i32 to vector<16xi32>
      tpu.vector_store_idx %arg10[%broadcast_in_dim3A_74], %masked_cumsum3A masked %eq3A_51 : memref<768xf32, #tpu.memory_space<vmem>>[vector<16xi32>], vector<16xf32>, vector<16xi1>
      %add3A_75 = arith.constant 128 : i32
      %add3A_76 = arith.addi %while3A_65, %add3A_75 : i32
      %get3A_77 = arith.index_cast %add3A_76 : i32 to index
      %get3A_78 = arith.constant 0 : index
      %get3A_79 = tpu.vector_load %arg9[%get3A_77, %get3A_78] {strides = array<i32>} : memref<768x16xf32, #tpu.memory_space<vmem>>, vector<16xf32>,
      %broadcast_in_dim3A_80 = arith.constant true
      %broadcast_in_dim3A_81 = vector.broadcast %broadcast_in_dim3A_80 : i1 to vector<16xi1>
      %masked_cumsum3A_82 = tpu.scan <sum>, %get3A_79 masked %broadcast_in_dim3A_81 : vector<16xf32>, vector<16xi1> -> vector<16xf32>
      %broadcast_in_dim3A_83 = vector.broadcast %add3A_76 : i32 to vector<16xi32>
      tpu.vector_store_idx %arg10[%broadcast_in_dim3A_83], %masked_cumsum3A_82 masked %eq3A_51 : memref<768xf32, #tpu.memory_space<vmem>>[vector<16xi32>], vector<16xf32>, vector<16xi1>
      %add3A_84 = arith.constant 256 : i32
      %add3A_85 = arith.addi %while3A_65, %add3A_84 : i32
      %get3A_86 = arith.index_cast %add3A_85 : i32 to index
      %get3A_87 = arith.constant 0 : index
      %get3A_88 = tpu.vector_load %arg9[%get3A_86, %get3A_87] {strides = array<i32>} : memref<768x16xf32, #tpu.memory_space<vmem>>, vector<16xf32>,
      %broadcast_in_dim3A_89 = arith.constant true
      %broadcast_in_dim3A_90 = vector.broadcast %broadcast_in_dim3A_89 : i1 to vector<16xi1>
      %masked_cumsum3A_91 = tpu.scan <sum>, %get3A_88 masked %broadcast_in_dim3A_90 : vector<16xf32>, vector<16xi1> -> vector<16xf32>
      %broadcast_in_dim3A_92 = vector.broadcast %add3A_85 : i32 to vector<16xi32>
      tpu.vector_store_idx %arg10[%broadcast_in_dim3A_92], %masked_cumsum3A_91 masked %eq3A_51 : memref<768xf32, #tpu.memory_space<vmem>>[vector<16xi32>], vector<16xf32>, vector<16xi1>
      %add3A_93 = arith.constant 384 : i32
      %add3A_94 = arith.addi %while3A_65, %add3A_93 : i32
      %get3A_95 = arith.index_cast %add3A_94 : i32 to index
      %get3A_96 = arith.constant 0 : index
      %get3A_97 = tpu.vector_load %arg9[%get3A_95, %get3A_96] {strides = array<i32>} : memref<768x16xf32, #tpu.memory_space<vmem>>, vector<16xf32>,
      %broadcast_in_dim3A_98 = arith.constant true
      %broadcast_in_dim3A_99 = vector.broadcast %broadcast_in_dim3A_98 : i1 to vector<16xi1>
      %masked_cumsum3A_100 = tpu.scan <sum>, %get3A_97 masked %broadcast_in_dim3A_99 : vector<16xf32>, vector<16xi1> -> vector<16xf32>
      %broadcast_in_dim3A_101 = vector.broadcast %add3A_94 : i32 to vector<16xi32>
      tpu.vector_store_idx %arg10[%broadcast_in_dim3A_101], %masked_cumsum3A_100 masked %eq3A_51 : memref<768xf32, #tpu.memory_space<vmem>>[vector<16xi32>], vector<16xf32>, vector<16xi1>
      %add3A_102 = arith.constant 512 : i32
      %add3A_103 = arith.addi %while3A_65, %add3A_102 : i32
      %get3A_104 = arith.index_cast %add3A_103 : i32 to index
      %get3A_105 = arith.constant 0 : index
      %get3A_106 = tpu.vector_load %arg9[%get3A_104, %get3A_105] {strides = array<i32>} : memref<768x16xf32, #tpu.memory_space<vmem>>, vector<16xf32>,
      %broadcast_in_dim3A_107 = arith.constant true
      %broadcast_in_dim3A_108 = vector.broadcast %broadcast_in_dim3A_107 : i1 to vector<16xi1>
      %masked_cumsum3A_109 = tpu.scan <sum>, %get3A_106 masked %broadcast_in_dim3A_108 : vector<16xf32>, vector<16xi1> -> vector<16xf32>
      %broadcast_in_dim3A_110 = vector.broadcast %add3A_103 : i32 to vector<16xi32>
      tpu.vector_store_idx %arg10[%broadcast_in_dim3A_110], %masked_cumsum3A_109 masked %eq3A_51 : memref<768xf32, #tpu.memory_space<vmem>>[vector<16xi32>], vector<16xf32>, vector<16xi1>
      %add3A_111 = arith.constant 640 : i32
      %add3A_112 = arith.addi %while3A_65, %add3A_111 : i32
      %get3A_113 = arith.index_cast %add3A_112 : i32 to index
      %get3A_114 = arith.constant 0 : index
      %get3A_115 = tpu.vector_load %arg9[%get3A_113, %get3A_114] {strides = array<i32>} : memref<768x16xf32, #tpu.memory_space<vmem>>, vector<16xf32>,
      %broadcast_in_dim3A_116 = arith.constant true
      %broadcast_in_dim3A_117 = vector.broadcast %broadcast_in_dim3A_116 : i1 to vector<16xi1>
      %masked_cumsum3A_118 = tpu.scan <sum>, %get3A_115 masked %broadcast_in_dim3A_117 : vector<16xf32>, vector<16xi1> -> vector<16xf32>
      %broadcast_in_dim3A_119 = vector.broadcast %add3A_112 : i32 to vector<16xi32>
      tpu.vector_store_idx %arg10[%broadcast_in_dim3A_119], %masked_cumsum3A_118 masked %eq3A_51 : memref<768xf32, #tpu.memory_space<vmem>>[vector<16xi32>], vector<16xf32>, vector<16xi1>
      %while3A_120 = arith.constant 0 : i32
      scf.yield %while3A_120 : i32
    }
    %while3A_63 = arith.constant 1 : i32
    %while3A_64 = scf.for %while3A_65 = %while3A_60 to %while3A_56 step %while3A_63 iter_args(%while3A_66 = %while3A_62) -> (i32)  : i32 {
      %add3A_67 = arith.constant 0 : i32
      %add3A_68 = arith.addi %while3A_65, %add3A_67 : i32
      %get3A_69 = arith.index_cast %add3A_68 : i32 to index
      %get3A_70 = arith.constant 0 : index
      %get3A_71 = tpu.vector_load %arg9[%get3A_69, %get3A_70] {strides = array<i32>} : memref<768x16xf32, #tpu.memory_space<vmem>>, vector<16xf32>,
      %broadcast_in_dim3A_72 = arith.constant true
      %broadcast_in_dim3A_73 = vector.broadcast %broadcast_in_dim3A_72 : i1 to vector<16xi1>
      %masked_cumsum3A = tpu.scan <sum>, %get3A_71 masked %broadcast_in_dim3A_73 : vector<16xf32>, vector<16xi1> -> vector<16xf32>
      %broadcast_in_dim3A_74 = vector.broadcast %add3A_68 : i32 to vector<16xi32>
      tpu.vector_store_idx %arg10[%broadcast_in_dim3A_74], %masked_cumsum3A masked %eq3A_51 : memref<768xf32, #tpu.memory_space<vmem>>[vector<16xi32>], vector<16xf32>, vector<16xi1>
      %add3A_75 = arith.constant 128 : i32
      %add3A_76 = arith.addi %while3A_65, %add3A_75 : i32
      %get3A_77 = arith.index_cast %add3A_76 : i32 to index
      %get3A_78 = arith.constant 0 : index
      %get3A_79 = tpu.vector_load %arg9[%get3A_77, %get3A_78] {strides = array<i32>} : memref<768x16xf32, #tpu.memory_space<vmem>>, vector<16xf32>,
      %broadcast_in_dim3A_80 = arith.constant true
      %broadcast_in_dim3A_81 = vector.broadcast %broadcast_in_dim3A_80 : i1 to vector<16xi1>
      %masked_cumsum3A_82 = tpu.scan <sum>, %get3A_79 masked %broadcast_in_dim3A_81 : vector<16xf32>, vector<16xi1> -> vector<16xf32>
      %broadcast_in_dim3A_83 = vector.broadcast %add3A_76 : i32 to vector<16xi32>
      tpu.vector_store_idx %arg10[%broadcast_in_dim3A_83], %masked_cumsum3A_82 masked %eq3A_51 : memref<768xf32, #tpu.memory_space<vmem>>[vector<16xi32>], vector<16xf32>, vector<16xi1>
      %add3A_84 = arith.constant 256 : i32
      %add3A_85 = arith.addi %while3A_65, %add3A_84 : i32
      %get3A_86 = arith.index_cast %add3A_85 : i32 to index
      %get3A_87 = arith.constant 0 : index
      %get3A_88 = tpu.vector_load %arg9[%get3A_86, %get3A_87] {strides = array<i32>} : memref<768x16xf32, #tpu.memory_space<vmem>>, vector<16xf32>,
      %broadcast_in_dim3A_89 = arith.constant true
      %broadcast_in_dim3A_90 = vector.broadcast %broadcast_in_dim3A_89 : i1 to vector<16xi1>
      %masked_cumsum3A_91 = tpu.scan <sum>, %get3A_88 masked %broadcast_in_dim3A_90 : vector<16xf32>, vector<16xi1> -> vector<16xf32>
      %broadcast_in_dim3A_92 = vector.broadcast %add3A_85 : i32 to vector<16xi32>
      tpu.vector_store_idx %arg10[%broadcast_in_dim3A_92], %masked_cumsum3A_91 masked %eq3A_51 : memref<768xf32, #tpu.memory_space<vmem>>[vector<16xi32>], vector<16xf32>, vector<16xi1>
      %add3A_93 = arith.constant 384 : i32
      %add3A_94 = arith.addi %while3A_65, %add3A_93 : i32
      %get3A_95 = arith.index_cast %add3A_94 : i32 to index
      %get3A_96 = arith.constant 0 : index
      %get3A_97 = tpu.vector_load %arg9[%get3A_95, %get3A_96] {strides = array<i32>} : memref<768x16xf32, #tpu.memory_space<vmem>>, vector<16xf32>,
      %broadcast_in_dim3A_98 = arith.constant true
      %broadcast_in_dim3A_99 = vector.broadcast %broadcast_in_dim3A_98 : i1 to vector<16xi1>
      %masked_cumsum3A_100 = tpu.scan <sum>, %get3A_97 masked %broadcast_in_dim3A_99 : vector<16xf32>, vector<16xi1> -> vector<16xf32>
      %broadcast_in_dim3A_101 = vector.broadcast %add3A_94 : i32 to vector<16xi32>
      tpu.vector_store_idx %arg10[%broadcast_in_dim3A_101], %masked_cumsum3A_100 masked %eq3A_51 : memref<768xf32, #tpu.memory_space<vmem>>[vector<16xi32>], vector<16xf32>, vector<16xi1>
      %add3A_102 = arith.constant 512 : i32
      %add3A_103 = arith.addi %while3A_65, %add3A_102 : i32
      %get3A_104 = arith.index_cast %add3A_103 : i32 to index
      %get3A_105 = arith.constant 0 : index
      %get3A_106 = tpu.vector_load %arg9[%get3A_104, %get3A_105] {strides = array<i32>} : memref<768x16xf32, #tpu.memory_space<vmem>>, vector<16xf32>,
      %broadcast_in_dim3A_107 = arith.constant true
      %broadcast_in_dim3A_108 = vector.broadcast %broadcast_in_dim3A_107 : i1 to vector<16xi1>
      %masked_cumsum3A_109 = tpu.scan <sum>, %get3A_106 masked %broadcast_in_dim3A_108 : vector<16xf32>, vector<16xi1> -> vector<16xf32>
      %broadcast_in_dim3A_110 = vector.broadcast %add3A_103 : i32 to vector<16xi32>
      tpu.vector_store_idx %arg10[%broadcast_in_dim3A_110], %masked_cumsum3A_109 masked %eq3A_51 : memref<768xf32, #tpu.memory_space<vmem>>[vector<16xi32>], vector<16xf32>, vector<16xi1>
      %add3A_111 = arith.constant 640 : i32
      %add3A_112 = arith.addi %while3A_65, %add3A_111 : i32
      %get3A_113 = arith.index_cast %add3A_112 : i32 to index
      %get3A_114 = arith.constant 0 : index
      %get3A_115 = tpu.vector_load %arg9[%get3A_113, %get3A_114] {strides = array<i32>} : memref<768x16xf32, #tpu.memory_space<vmem>>, vector<16xf32>,
      %broadcast_in_dim3A_116 = arith.constant true
      %broadcast_in_dim3A_117 = vector.broadcast %broadcast_in_dim3A_116 : i1 to vector<16xi1>
      %masked_cumsum3A_118 = tpu.scan <sum>, %get3A_115 masked %broadcast_in_dim3A_117 : vector<16xf32>, vector<16xi1> -> vector<16xf32>
      %broadcast_in_dim3A_119 = vector.broadcast %add3A_112 : i32 to vector<16xi32>
      tpu.vector_store_idx %arg10[%broadcast_in_dim3A_119], %masked_cumsum3A_118 masked %eq3A_51 : memref<768xf32, #tpu.memory_space<vmem>>[vector<16xi32>], vector<16xf32>, vector<16xi1>
      %while3A_120 = arith.constant 0 : i32
      scf.yield %while3A_120 : i32
    }
    "tpu.region"() ({
      %run_scoped3A = tpu.sem_alloc : memref<!tpu.dma_semaphore, #tpu.memory_space<semaphore_mem>>
      %dma_start3A_65 = arith.constant 0 : i32
      %dma_start3A_66 = tpu.memref_slice %arg5[%add3A, %dma_start3A_65] : memref<32x768xf32, #tpu.memory_space<hbm>> -> memref<1x768xf32, #tpu.memory_space<hbm>>
      %dma_start3A_67 = tpu.memref_squeeze %dma_start3A_66 : memref<1x768xf32, #tpu.memory_space<hbm>> -> memref<768xf32, #tpu.memory_space<hbm>>
      %dma_start3A_68 = arith.constant 0 : i32
      %dma_start3A_69 = tpu.memref_slice %arg5[%add3A, %dma_start3A_68] : memref<32x768xf32, #tpu.memory_space<hbm>> -> memref<1x768xf32, #tpu.memory_space<hbm>>
      %dma_start3A_70 = tpu.memref_squeeze %dma_start3A_69 : memref<1x768xf32, #tpu.memory_space<hbm>> -> memref<768xf32, #tpu.memory_space<hbm>>
      tpu.enqueue_dma source(%arg10 : memref<768xf32, #tpu.memory_space<vmem>>) target(%dma_start3A_70 : memref<768xf32, #tpu.memory_space<hbm>>) target_semaphore(%run_scoped3A : memref<!tpu.dma_semaphore, #tpu.memory_space<semaphore_mem>>)
      %dma_wait3A_71 = arith.constant 0 : i32
      %dma_wait3A_72 = tpu.memref_slice %arg5[%add3A, %dma_wait3A_71] : memref<32x768xf32, #tpu.memory_space<hbm>> -> memref<1x768xf32, #tpu.memory_space<hbm>>
      %dma_wait3A_73 = tpu.memref_squeeze %dma_wait3A_72 : memref<1x768xf32, #tpu.memory_space<hbm>> -> memref<768xf32, #tpu.memory_space<hbm>>
      %dma_wait3A_74 = arith.constant 0 : i32
      %dma_wait3A_75 = tpu.memref_slice %arg5[%add3A, %dma_wait3A_74] : memref<32x768xf32, #tpu.memory_space<hbm>> -> memref<1x768xf32, #tpu.memory_space<hbm>>
      %dma_wait3A_76 = tpu.memref_squeeze %dma_wait3A_75 : memref<1x768xf32, #tpu.memory_space<hbm>> -> memref<768xf32, #tpu.memory_space<hbm>>
      tpu.wait_dma2 semaphore(%run_scoped3A : memref<!tpu.dma_semaphore, #tpu.memory_space<semaphore_mem>>) src(%arg10 : memref<768xf32, #tpu.memory_space<vmem>>) dst(%dma_wait3A_76 : memref<768xf32, #tpu.memory_space<hbm>>)
      tpu.yield
    }) : () -> ()
    return
  }
}

module attributes {stable_mosaic.version = 14 : i64} {
  func.func @_tc_combine_body(%arg0: memref<32x768xf32, #tpu.memory_space<vmem>>, %arg1: memref<1x1xf32, #tpu.memory_space<vmem>>, %arg2: memref<1x1xf32, #tpu.memory_space<vmem>>) attributes {dimension_semantics = [], scalar_prefetch = 0 : i64, scratch_operands = 0 : i64, tpu.core_type = #tpu.core_type<tc>} {
    %get3A = arith.constant 0 : index
    %get3A_0 = arith.constant 0 : index
    %get3A_1 = vector.load %arg0[%get3A, %get3A_0] : memref<32x768xf32, #tpu.memory_space<vmem>>, vector<32x128xf32>
    %reduce_sum3A = arith.constant dense<0.000000e+00> : vector<128xf32>
    %reduce_sum3A_2 = vector.multi_reduction <add>, %get3A_1, %reduce_sum3A [0] : vector<32x128xf32> to vector<128xf32>
    %broadcast_in_dim3A = vector.shape_cast %reduce_sum3A_2 : vector<128xf32> to vector<1x128xf32>
    %get3A_3 = arith.constant 0 : index
    %get3A_4 = arith.constant 128 : index
    %get3A_5 = vector.load %arg0[%get3A_3, %get3A_4] : memref<32x768xf32, #tpu.memory_space<vmem>>, vector<32x128xf32>
    %reduce_sum3A_6 = arith.constant dense<0.000000e+00> : vector<128xf32>
    %reduce_sum3A_7 = vector.multi_reduction <add>, %get3A_5, %reduce_sum3A_6 [0] : vector<32x128xf32> to vector<128xf32>
    %broadcast_in_dim3A_8 = vector.shape_cast %reduce_sum3A_7 : vector<128xf32> to vector<1x128xf32>
    %get3A_9 = arith.constant 0 : index
    %get3A_10 = arith.constant 256 : index
    %get3A_11 = vector.load %arg0[%get3A_9, %get3A_10] : memref<32x768xf32, #tpu.memory_space<vmem>>, vector<32x128xf32>
    %reduce_sum3A_12 = arith.constant dense<0.000000e+00> : vector<128xf32>
    %reduce_sum3A_13 = vector.multi_reduction <add>, %get3A_11, %reduce_sum3A_12 [0] : vector<32x128xf32> to vector<128xf32>
    %broadcast_in_dim3A_14 = vector.shape_cast %reduce_sum3A_13 : vector<128xf32> to vector<1x128xf32>
    %get3A_15 = arith.constant 0 : index
    %get3A_16 = arith.constant 384 : index
    %get3A_17 = vector.load %arg0[%get3A_15, %get3A_16] : memref<32x768xf32, #tpu.memory_space<vmem>>, vector<32x128xf32>
    %reduce_sum3A_18 = arith.constant dense<0.000000e+00> : vector<128xf32>
    %reduce_sum3A_19 = vector.multi_reduction <add>, %get3A_17, %reduce_sum3A_18 [0] : vector<32x128xf32> to vector<128xf32>
    %broadcast_in_dim3A_20 = vector.shape_cast %reduce_sum3A_19 : vector<128xf32> to vector<1x128xf32>
    %get3A_21 = arith.constant 0 : index
    %get3A_22 = arith.constant 512 : index
    %get3A_23 = vector.load %arg0[%get3A_21, %get3A_22] : memref<32x768xf32, #tpu.memory_space<vmem>>, vector<32x128xf32>
    %reduce_sum3A_24 = arith.constant dense<0.000000e+00> : vector<128xf32>
    %reduce_sum3A_25 = vector.multi_reduction <add>, %get3A_23, %reduce_sum3A_24 [0] : vector<32x128xf32> to vector<128xf32>
    %broadcast_in_dim3A_26 = vector.shape_cast %reduce_sum3A_25 : vector<128xf32> to vector<1x128xf32>
    %get3A_27 = arith.constant 0 : index
    %get3A_28 = arith.constant 640 : index
    %get3A_29 = vector.load %arg0[%get3A_27, %get3A_28] : memref<32x768xf32, #tpu.memory_space<vmem>>, vector<32x128xf32>
    %reduce_sum3A_30 = arith.constant dense<0.000000e+00> : vector<128xf32>
    %reduce_sum3A_31 = vector.multi_reduction <add>, %get3A_29, %reduce_sum3A_30 [0] : vector<32x128xf32> to vector<128xf32>
    %broadcast_in_dim3A_32 = vector.shape_cast %reduce_sum3A_31 : vector<128xf32> to vector<1x128xf32>
    %max3A = arith.constant 1.000000e+00 : f32
    %max3A_33 = vector.broadcast %max3A : f32 to vector<1x128xf32>
    %max3A_34 = arith.maximumf %broadcast_in_dim3A, %max3A_33 : vector<1x128xf32>
    %sub3A = arith.constant 1.000000e+00 : f32
    %sub3A_35 = vector.broadcast %sub3A : f32 to vector<1x128xf32>
    %sub3A_36 = arith.subf %broadcast_in_dim3A, %sub3A_35 : vector<1x128xf32>
    %max3A_37 = arith.constant 1.000000e+00 : f32
    %max3A_38 = vector.broadcast %max3A_37 : f32 to vector<1x128xf32>
    %max3A_39 = arith.maximumf %sub3A_36, %max3A_38 : vector<1x128xf32>
    %div3A = arith.divf %broadcast_in_dim3A_8, %max3A_34 : vector<1x128xf32>
    %div3A_40 = arith.divf %broadcast_in_dim3A_14, %max3A_34 : vector<1x128xf32>
    %mul3A = arith.mulf %broadcast_in_dim3A, %div3A : vector<1x128xf32>
    %mul3A_41 = arith.mulf %mul3A, %div3A : vector<1x128xf32>
    %sub3A_42 = arith.subf %broadcast_in_dim3A_20, %mul3A_41 : vector<1x128xf32>
    %div3A_43 = arith.divf %sub3A_42, %max3A_39 : vector<1x128xf32>
    %max3A_44 = arith.constant 0.000000e+00 : f32
    %max3A_45 = vector.broadcast %max3A_44 : f32 to vector<1x128xf32>
    %max3A_46 = arith.maximumf %div3A_43, %max3A_45 : vector<1x128xf32>
    %mul3A_47 = arith.mulf %broadcast_in_dim3A, %div3A_40 : vector<1x128xf32>
    %mul3A_48 = arith.mulf %mul3A_47, %div3A_40 : vector<1x128xf32>
    %sub3A_49 = arith.subf %broadcast_in_dim3A_26, %mul3A_48 : vector<1x128xf32>
    %div3A_50 = arith.divf %sub3A_49, %max3A_39 : vector<1x128xf32>
    %max3A_51 = arith.constant 0.000000e+00 : f32
    %max3A_52 = vector.broadcast %max3A_51 : f32 to vector<1x128xf32>
    %max3A_53 = arith.maximumf %div3A_50, %max3A_52 : vector<1x128xf32>
    %gt3A = arith.constant 0.000000e+00 : f32
    %gt3A_54 = vector.broadcast %gt3A : f32 to vector<1x128xf32>
    %gt3A_55 = arith.cmpf ogt, %max3A_46, %gt3A_54 : vector<1x128xf32>
    %gt3A_56 = arith.constant 0.000000e+00 : f32
    %gt3A_57 = vector.broadcast %gt3A_56 : f32 to vector<1x128xf32>
    %gt3A_58 = arith.cmpf ogt, %max3A_46, %gt3A_57 : vector<1x128xf32>
    %jit3A = arith.constant 1.000000e+00 : f32
    %broadcast_in_dim3A_59 = vector.broadcast %jit3A : f32 to vector<1x128xf32>
    %select_n3A = arith.select %gt3A_58, %max3A_46, %broadcast_in_dim3A_59 : vector<1x128xi1>, vector<1x128xf32>
    %sqrt3A = math.sqrt %select_n3A : vector<1x128xf32>
    %jit3A_60 = arith.constant 0.000000e+00 : f32
    %broadcast_in_dim3A_61 = vector.broadcast %jit3A_60 : f32 to vector<1x128xf32>
    %select_n3A_62 = arith.select %gt3A_55, %sqrt3A, %broadcast_in_dim3A_61 : vector<1x128xi1>, vector<1x128xf32>
    %gt3A_63 = arith.constant 0.000000e+00 : f32
    %gt3A_64 = vector.broadcast %gt3A_63 : f32 to vector<1x128xf32>
    %gt3A_65 = arith.cmpf ogt, %max3A_53, %gt3A_64 : vector<1x128xf32>
    %gt3A_66 = arith.constant 0.000000e+00 : f32
    %gt3A_67 = vector.broadcast %gt3A_66 : f32 to vector<1x128xf32>
    %gt3A_68 = arith.cmpf ogt, %max3A_53, %gt3A_67 : vector<1x128xf32>
    %jit3A_69 = arith.constant 1.000000e+00 : f32
    %broadcast_in_dim3A_70 = vector.broadcast %jit3A_69 : f32 to vector<1x128xf32>
    %select_n3A_71 = arith.select %gt3A_68, %max3A_53, %broadcast_in_dim3A_70 : vector<1x128xi1>, vector<1x128xf32>
    %sqrt3A_72 = math.sqrt %select_n3A_71 : vector<1x128xf32>
    %jit3A_73 = arith.constant 0.000000e+00 : f32
    %broadcast_in_dim3A_74 = vector.broadcast %jit3A_73 : f32 to vector<1x128xf32>
    %select_n3A_75 = arith.select %gt3A_65, %sqrt3A_72, %broadcast_in_dim3A_74 : vector<1x128xi1>, vector<1x128xf32>
    %mul3A_76 = arith.mulf %broadcast_in_dim3A, %div3A : vector<1x128xf32>
    %mul3A_77 = arith.mulf %mul3A_76, %div3A_40 : vector<1x128xf32>
    %sub3A_78 = arith.subf %broadcast_in_dim3A_32, %mul3A_77 : vector<1x128xf32>
    %get3A_79 = arith.constant 0 : index
    %get3A_80 = arith.constant 0 : index
    %get3A_81 = vector.load %arg1[%get3A_79, %get3A_80] : memref<1x1xf32, #tpu.memory_space<vmem>>, vector<1x1xf32>
    %get3A_82 = vector.extract %get3A_81[0, 0] : f32 from vector<1x1xf32>
    %ge3A = vector.broadcast %get3A_82 : f32 to vector<1x128xf32>
    %ge3A_83 = arith.cmpf oge, %broadcast_in_dim3A, %ge3A : vector<1x128xf32>
    %ge3A_84 = arith.constant 9.99999996E-13 : f32
    %ge3A_85 = vector.broadcast %ge3A_84 : f32 to vector<1x128xf32>
    %ge3A_86 = arith.cmpf oge, %select_n3A_62, %ge3A_85 : vector<1x128xf32>
    %and3A = arith.andi %ge3A_83, %ge3A_86 : vector<1x128xi1>
    %ge3A_87 = arith.constant 9.99999996E-13 : f32
    %ge3A_88 = vector.broadcast %ge3A_87 : f32 to vector<1x128xf32>
    %ge3A_89 = arith.cmpf oge, %select_n3A_75, %ge3A_88 : vector<1x128xf32>
    %and3A_90 = arith.andi %and3A, %ge3A_89 : vector<1x128xi1>
    %mul3A_91 = arith.mulf %broadcast_in_dim3A, %select_n3A_62 : vector<1x128xf32>
    %mul3A_92 = arith.mulf %mul3A_91, %select_n3A_75 : vector<1x128xf32>
    %jit3A_93 = arith.constant 1.000000e+00 : f32
    %broadcast_in_dim3A_94 = vector.broadcast %jit3A_93 : f32 to vector<1x128xf32>
    %select_n3A_95 = arith.select %and3A_90, %mul3A_92, %broadcast_in_dim3A_94 : vector<1x128xi1>, vector<1x128xf32>
    %div3A_96 = arith.divf %sub3A_78, %select_n3A_95 : vector<1x128xf32>
    %jit3A_97 = arith.constant 0.000000e+00 : f32
    %broadcast_in_dim3A_98 = vector.broadcast %jit3A_97 : f32 to vector<1x128xf32>
    %select_n3A_99 = arith.select %and3A_90, %div3A_96, %broadcast_in_dim3A_98 : vector<1x128xi1>, vector<1x128xf32>
    %convert_element_type3A = arith.extui %and3A_90 : vector<1x128xi1> to vector<1x128xi32>
    %convert_element_type3A_100 = arith.sitofp %convert_element_type3A : vector<1x128xi32> to vector<1x128xf32>
    %reduce_sum3A_101 = vector.shape_cast %convert_element_type3A_100 : vector<1x128xf32> to vector<1x1x128xf32>
    %reduce_sum3A_102 = arith.constant dense<0.000000e+00> : vector<1xf32>
    %reduce_sum3A_103 = vector.multi_reduction <add>, %reduce_sum3A_101, %reduce_sum3A_102 [1, 2] : vector<1x1x128xf32> to vector<1xf32>
    %reduce_sum3A_104 = vector.shape_cast %reduce_sum3A_103 : vector<1xf32> to vector<1x1x1xf32>
    %reduce_sum3A_105 = vector.extract %reduce_sum3A_104[0, 0, 0] : f32 from vector<1x1x1xf32>
    %reduce_sum3A_106 = vector.shape_cast %select_n3A_99 : vector<1x128xf32> to vector<1x1x128xf32>
    %reduce_sum3A_107 = arith.constant dense<0.000000e+00> : vector<1xf32>
    %reduce_sum3A_108 = vector.multi_reduction <add>, %reduce_sum3A_106, %reduce_sum3A_107 [1, 2] : vector<1x1x128xf32> to vector<1xf32>
    %reduce_sum3A_109 = vector.shape_cast %reduce_sum3A_108 : vector<1xf32> to vector<1x1x1xf32>
    %reduce_sum3A_110 = vector.extract %reduce_sum3A_109[0, 0, 0] : f32 from vector<1x1x1xf32>
    %neg3A = arith.constant 0.000000e+00 : f32
    %neg3A_111 = arith.subf %neg3A, %reduce_sum3A_110 : f32
    %div3A_112 = arith.divf %neg3A_111, %reduce_sum3A_105 : f32
    %reshape3A = vector.broadcast %div3A_112 : f32 to vector<1x1xf32>
    %swap3A = arith.constant 0 : index
    %swap3A_113 = arith.constant 0 : index
    %swap3A_114 = vector.load %arg2[%swap3A, %swap3A_113] : memref<1x1xf32, #tpu.memory_space<vmem>>, vector<1x1xf32>
    tpu.vector_store %arg2[%swap3A, %swap3A_113], %reshape3A {strides = array<i32>} : memref<1x1xf32, #tpu.memory_space<vmem>>, vector<1x1xf32>,
    return
  }
}

</mosaic_0001>

<sc_bundles>
// kernel: kernel.4.cloned.1.call-start
scs
__scs_entry_jumppad:
0x0: {  	(pc) =	sbr.rel $0x88, $3  }
0x1: {  	(tag) =	ssettag $0x0;
	lr =	simm.s32 $0x1  }
0x2: {  	[smem:$0x3F9D] =	sst lr;
	_ =	strace $0xD0000000  }
0x3: {  	_ = 	snop  }
0x4: {  	_ = 	snop  }
0x5: {  	_ = 	snop  }
0x6: {  	_ = 	snop  }
0x7: {  	_ = 	snop  }
__scs_overlays_trampoline_lowered:
0x8: {  	[smem:$0x3FAC] =	sst s0  }
0x9: {  	[smem:$0x3FAD] =	sst s1  }
0xa: {  	[smem:$0x3FAE] =	sst s2  }
0xb: {  	[smem:$0x3FAF] =	sst s3  }
0xc: {  	[smem:$0x3FB0] =	sst s4  }
0xd: {  	[smem:$0x3FB1] =	sst s5  }
0xe: {  	[smem:$0x3FB2] =	sst s6  }
0xf: {  	[smem:$0x3FB3] =	sst s7  }
0x10: {  	[smem:$0x3FB4] =	sst s8  }
0x11: {  	[smem:$0x3FB5] =	sst s9;
	s0 =	simm.s32 @!p0 $0x0  }
0x12: {  	s1 =	sld [smem:$0x3F9B];
	s0 =	simm.s32 @p0 $0x1  }
0x13: {  	[smem:$0x3FB6] =	sst s0;
	s0 =	simm.s32 @!p1 $0x0  }
0x14: {  	s2 =	sld [smem:$0x3F9A];
	s0 =	simm.s32 @p1 $0x1  }
0x15: {  	[smem:$0x3FB7] =	sst s0;
	s0 =	simm.s32 @!p2 $0x0  }
0x16: {  	s3 =	sld [smem:$0x3FDB];
	s0 =	simm.s32 @p2 $0x1  }
0x17: {  	s4 =	simm.s32 $0x1BF5;
	[smem:$0x3FB9] =	sst s0  }
0x18: {  	s0 =	sld [smem:$0x3F9C];
	_ =	swait.ge [sflag:s4], $0x0  }
0x19: {  	s7 =	sld [smem:$0x3F9D]  }
0x1a: {  	s8 =	sadd.s32 $0xFFFFE003, lr  }
0x1b: {  	s9 =	sadd.s32 $0xFFFFFEF7, lr;
	s5 =	simm.s32 $0xFFFFFFFF;
	p2 =	slt.u32 s8, $0xFFFFF086  }
0x1c: {  	p1 =	slt.u32 s9, $0xF7A;
	s5 =	simm.s32 @!p2 $0x0  }
0x1d: {  	s5 =	simm.s32 @p1 $0x1;
	p0 =	seq.s32 s7, s2  }
0x1e: {  	s7 =	smul.u32 @!p0 $0xF7A, s2;
	p2 =	seq.s32 @!p0 s5, $0x0  }
0x1f: {  	s9 =	smul.u32 $0xF7A, s1;
	s8 =	simm.s32 @!p0 $0x1BF5;
	p2 =	por !p2, p0  }
0x20: {  	[sflag:s8] =	ssyncset.s32 @!p0 $0xFFFFF086;
	s6 =	sadd.s32 @!p0 s3, s7;
	s7 =	simm.s32 @!p0 $0x108  }
0x21: {  	s3 =	sadd.s32 s3, s9;
	s6 =	sadd.s32 @!p0 $0x88, s6;
	s7 =	simm.s32 @p2 $0x1082  }
0x22: {  	[simem:s7], [sflag:s8] =	dma.local @!p0 [hbm:s6], $0xF7A  }
0x23: {  	s9 =	sor.u32 $0xD0000000, s2;
	s6 =	simm.s32 $0x108;
	_ =	swait.ge @!p0 [sflag:s8], $0x0  }
0x24: {  	s3 =	sadd.s32 $0x88, s3;
	s6 =	simm.s32 @!p1 $0x1082;
	[sflag:s4] =	ssyncset.s32 $0xFFFFF086  }
0x25: {  	[simem:s6], [sflag:s4] =	dma.local [hbm:s3], $0xF7A  }
0x26: {  	[smem:$0x3F9D] =	sst s1;
	(tag) =	ssettag s2;
	_ =	strace s9  }
0x27: {  	s1 =	sld [smem:$0x3FAD]  }
0x28: {  	s2 =	sld [smem:$0x3FAE]  }
0x29: {  	s4 =	sld [smem:$0x3FB0]  }
0x2a: {  	p0 =	seq.s32 s5, $0x0;
	s5 =	sld [smem:$0x3FB1]  }
0x2b: {  	s6 =	sld [smem:$0x3FB2]  }
0x2c: {  	s7 =	sld [smem:$0x3FB3]  }
0x2d: {  	s3 =	simm.s32 $0x108;
	s8 =	sld [smem:$0x3FB4]  }
0x2e: {  	s3 =	simm.s32 @!p0 $0x1082;
	s9 =	sld [smem:$0x3FB5]  }
0x2f: {  	lr =	sadd.s32 s0, s3;
	s0 =	sld [smem:$0x3FAC]  }
0x30: {  	s3 =	sld [smem:$0x3FAF]  }
0x31: {  	[smem:$0x3FB8] =	sst s10  }
0x32: {  	s10 =	sld [smem:$0x3FB6];
	_ =	sdelay $0x3  }
0x33: {  	p0 =	seq.s32 s10, $0x1;
	s10 =	sld [smem:$0x3FB8];
	_ =	sdelay $0x3  }
0x34: {  	[smem:$0x3FB8] =	sst s10  }
0x35: {  	s10 =	sld [smem:$0x3FB7];
	_ =	sdelay $0x3  }
0x36: {  	p1 =	seq.s32 s10, $0x1;
	s10 =	sld [smem:$0x3FB8];
	_ =	sdelay $0x3  }
0x37: {  	[smem:$0x3FB8] =	sst s10  }
0x38: {  	s10 =	sld [smem:$0x3FB9]  }
0x39: {  	_ = 	snop;
	(pc) =	sbr.ind lr, $3  }
0x3a: {  	_ = 	snop  }
0x3b: {  	_ = 	snop  }
0x3c: {  	p2 =	seq.s32 s10, $0x1;
	s10 =	sld [smem:$0x3FB8]  }
0x3d: {  	_ =	shalt  }
0x3e: {  	_ =	shalt  }
0x3f: {  	_ =	shalt  }
0x40: {  	_ =	shalt  }
0x41: {  	_ =	shalt  }
0x42: {  	_ =	shalt  }
0x43: {  	_ =	shalt  }
0x44: {  	_ =	shalt  }
0x45: {  	_ =	shalt  }
0x46: {  	_ =	shalt  }
0x47: {  	_ =	shalt  }
0x48: {  	_ =	shalt  }
0x49: {  	_ =	shalt  }
0x4a: {  	_ =	shalt  }
0x4b: {  	_ =	shalt  }
0x4c: {  	_ =	shalt  }
0x4d: {  	_ =	shalt  }
0x4e: {  	_ =	shalt  }
0x4f: {  	_ =	shalt  }
0x50: {  	_ =	shalt  }
0x51: {  	_ =	shalt  }
0x52: {  	_ =	shalt  }
0x53: {  	_ =	shalt  }
0x54: {  	_ =	shalt  }
0x55: {  	_ =	shalt  }
0x56: {  	_ =	shalt  }
0x57: {  	_ =	shalt  }
0x58: {  	_ =	shalt  }
0x59: {  	_ =	shalt  }
0x5a: {  	_ =	shalt  }
0x5b: {  	_ =	shalt  }
0x5c: {  	_ =	shalt  }
0x5d: {  	_ =	shalt  }
0x5e: {  	_ =	shalt  }
0x5f: {  	_ =	shalt  }
0x60: {  	_ =	shalt  }
0x61: {  	_ =	shalt  }
0x62: {  	_ =	shalt  }
0x63: {  	_ =	shalt  }
0x64: {  	_ =	shalt  }
0x65: {  	_ =	shalt  }
0x66: {  	_ =	shalt  }
0x67: {  	_ =	shalt  }
0x68: {  	_ =	shalt  }
0x69: {  	_ =	shalt  }
0x6a: {  	_ =	shalt  }
0x6b: {  	_ =	shalt  }
0x6c: {  	_ =	shalt  }
0x6d: {  	_ =	shalt  }
0x6e: {  	_ =	shalt  }
0x6f: {  	_ =	shalt  }
0x70: {  	_ =	shalt  }
0x71: {  	_ =	shalt  }
0x72: {  	_ =	shalt  }
0x73: {  	_ =	shalt  }
0x74: {  	_ =	shalt  }
0x75: {  	_ =	shalt  }
0x76: {  	_ =	shalt  }
0x77: {  	_ =	shalt  }
0x78: {  	_ =	shalt  }
0x79: {  	_ =	shalt  }
0x7a: {  	_ =	shalt  }
0x7b: {  	_ =	shalt  }
0x7c: {  	_ =	shalt  }
0x7d: {  	_ =	shalt  }
0x7e: {  	_ =	shalt  }
0x7f: {  	_ =	shalt  }
0x80: {  	_ =	shalt  }
0x81: {  	_ =	shalt  }
0x82: {  	_ =	shalt  }
0x83: {  	_ =	shalt  }
0x84: {  	_ =	shalt  }
0x85: {  	_ =	shalt  }
0x86: {  	_ =	shalt  }
0x87: {  	_ =	shalt  }
.Lfunc_end0:
.L_simem_size_0:
called_computation_lowered:
.L_overlay_start_0:
0x88: {  	s2 =	sld [smem:$0x3FD9]  }
0x89: {  	s3 =	sld [smem:$0x3FFE];
	_ =	sdelay $0x1  }
0x8a: {  	s1 =	srdreg.scid  }
0x8b: {  	s0 =	sand.u32 $0x1, s1  }
0x8c: {  	s17 =	sshll.u32 s0, $0xA;
	s2 =	sadd.s32 s3, s2  }
0x8d: {  	s2 =	sadd.s32 s2, s17  }
0x8e: {  	[smem:$0x3FC4] =	sst s2  }
0x8f: {  	_ = 	snop  }
0x90: {  	s2 =	sld [smem:$0x3FC9]  }
0x91: {  	s18 =	sld [smem:$0x3FC8];
	(tm) =	ssettm $0x1  }
0x92: {  	s4 =	sld [smem:$0x3FFB];
	_ =	sdelay $0x3  }
0x93: {  	_ =	strace s4  }
0x94: {  	s4 =	sld [smem:$0x3FFC];
	_ =	sdelay $0x3  }
0x95: {  	_ =	strace s4  }
0x96: {  	s4 =	sld [smem:$0x3FFD];
	_ =	sdelay $0x3  }
0x97: {  	_ =	strace s4  }
0x98: {  	_ =	strace $0x8FFFFFFF  }
0x99: {  	s19 =	sld [smem:$0x3FDB];
	_ =	sdelay $0x1  }
0x9a: {  	s5 =	simm.s32 $_scs_section_size  }
0x9b: {  	s6 =	simm.s32 $_size__tile_overlayer_lowered;
	s7 =	simm.s32 $_tile_overlayer_lowered  }
0x9c: {  	s22 =	simm.s32 $0x1BFF;
	s21 =	sshll.u32 s7, $0x1;
	s4 =	sadd.s32 s5, s19  }
0x9d: {  	s8 =	simm.s32 $0x0;
	s20 =	sshll.u32 s6, $0x1;
	s6 =	sadd.s32 s21, s4  }
0x9e: {  	[timem:s8], [sflag:s22] =	dma.local [hbm:s6], s20  }
0x9f: {  	_ =	swait.ge [sflag:s22], s20  }
0xa0: {  	s5 =	ssub.s32 $0x0, s20;
	[sflag:s22] =	ssyncset.done $0x0  }
0xa1: {  	[sflag:s22] =	ssyncadd.s32 s5;
	_ =	sdelay $0x1  }
0xa2: {  	s23 =	simm.s32 $0x1B8B  }
0xa3: {  	_ =	swait.ge [sflag:s23], $0x1  }
0xa4: {  	[sflag:s23] =	ssyncset.done $0x0  }
0xa5: {  	s25 =	simm.s32 $0x1B8E;
	s24 =	sld [smem:$0x3FFE];
	[sflag:s23] =	ssyncadd.s32 $0xFFFFFFFF  }
0xa6: {  	s26 =	simm.s32 $execute0_lowered;
	[smem:$0x3FD2] =	sst s25  }
0xa7: {  	s6 =	sshll.u32 s26, $0x1;
	_ =	strace $0x80000046;
	[dreg:$0x1] =	wrdreg $0xFFFFFFFF  }
0xa8: {  	s28 =	simm.s32 $_size_execute0_lowered;
	s4 =	sadd.s32 s4, s6;
	[dreg:$0x0] =	wrdreg $0x0  }
0xa9: {  	s6 =	sshll.u32 s28, $0x1;
	[dreg:$0x2] =	wrdreg s4  }
0xaa: {  	[dreg:$0x3] =	wrdreg s6  }
0xab: {  	[dreg:$0x4] =	wrdreg $0xC0  }
0xac: {  	_ =	task [dreg:s8], $0x5FFFF  }
0xad: {  	[dreg:$0x1] =	wrdreg $0xFFFFFFFF  }
0xae: {  	[dreg:$0x0] =	wrdreg $0x60  }
0xaf: {  	[dreg:$0x2] =	wrdreg s2  }
0xb0: {  	[dreg:$0x3] =	wrdreg s18  }
0xb1: {  	[dreg:$0x4] =	wrdreg s24  }
0xb2: {  	[dreg:$0x5] =	wrdreg $0x9  }
0xb3: {  	_ =	task.clear_ibuf [dreg:s8], $0x6FFFF;
	_ =	strace $0x90000046  }
0xb4: {  	s29 =	simm.s32 $0x9;
	_ =	strace $0x80000048  }
0xb5: {  	_ =	swait.ge [sflag:s29], $0x1  }
0xb6: {  	[sflag:s29] =	ssyncadd.s32 $0xFFFFFFFF  }
0xb7: {  	_ =	strace $0x90000048  }
0xb8: {  	_ =	sfence  }
0xb9: {  	s30 =	sld [smem:$0x0];
	_ =	sdelay $0x2  }
0xba: {  	s31 =	sshll.u32 s1, $0xD;
	s1 =	sshrl.u32 s1, $0x2  }
0xbb: {  	s3 =	sand.u32 $0x4000, s31;
	s1 =	sadd.s32 s1, s30  }
0xbc: {  	s0 =	sor.u32 s3, s0;
	s1 =	sshll.u32 s1, $0x11  }
0xbd: {  	s0 =	sor.u32 s1, s0  }
0xbe: {  	s0 =	sadd.s32 $0x8F2B, s0  }
0xbf: {  	[sflag:s0] =	ssyncadd.remote.s32 $0x1  }
0xc0: {  	_ =	sfence.sel $0xFFFF  }
0xc1: {  	[dreg:$0x0] =	wrdreg $0xFFFFFFFF;
	(pc) =	sbr.abs _section_cstart, $3  }
0xc2: {  	[dreg:$0x1] =	wrdreg $0xFFFFFFFF  }
0xc3: {  	_ =	task.clear_ibuf [dreg:s8], $0x2FFFF;
	_ =	strace $0x9FFFFFFF  }
0xc4: {  	(tm) =	ssettm $0x7FFFFFFF  }
0xc5: {  	_ =	shalt  }
tec
execute0_lowered:
.L_overlay_start_1:
0x0: {  	(tag) =	ssettag $0x1  }
0x1: {  	s3 =	rddreg [dreg:$0x0]  }
0x2: {  	s5 =	rddreg [dreg:$0x1]  }
0x3: {  	s0 =	srdreg.scid;
	s6 =	rddreg [dreg:$0x2];
	s2 =	simm.s32 $0x0  }
0x4: {  	s11 =	simm.s32 $0xC00;
	s12 =	simm.s32 $0x18C00;
	s13 =	simm.s32 $0x80  }
0x5: {  	s14 =	simm.s32 $0x2;
	s15 =	simm.s32 $0x0;
	s4 =	sand.u32 $0x1, s0  }
0x6: {  	s0 =	stileid.u32;
	[smem:$0x7FF] =	sst s2;
	s1 =	sshll.u32 s4, $0x4  }
0x7: {  	s9 =	sshll.u32 s0, $0x7;
	s4 =	ssub.s32 $0x2, s4;
	s7 =	sor.u32 s0, s1  }
0x8: {  	s1 =	rddreg [dreg:$0x3];
	_ =	strace $0x80000047;
	s8 =	sshrl.u32 s7, $0x3  }
0x9: {  	vm0 =	vcmask $0x3F3C;
	s9 =	sand.u32 $0x380, s9;
	s10 =	sshrl.u32 s4, $0x1;
	s8 =	smul.u32 $0x1800, s8  }
.Ltmp0:
0xa: {  	s7 =	sshll.u32 s7, $0x7;
	s31 =	ssub.s32 s4, s10;
	(pc) =	sbr.rel .LBB2_1-.Ltmp0, $4  }
0xb: {  	s10 =	simm.s32 $0x1;
	s30 =	sadd.s32 s7, s6;
	s8 =	sor.u32 s9, s8  }
0xc: {  	v0 =	vimm.f32 $0.0e+00;
	v1 =	vlaneseq.u32;
	s3 =	sadd.s32 s3, s7;
	s4 =	sadd.s32 s5, s7;
	s8 =	sshrl.u32 s8, $0x3  }
0xd: {  	v2 =	vimm.f32 $1.000000000e+00;
	v3 =	vor.u32 $0x4000, v1;
	v4 =	vor.u32 $0x8000, v1;
	s7 =	smax.u32 s31, $0x1;
	s5 =	sadd.s32 $0x600, s30;
	s6 =	sadd.s32 s8, s6  }
0xe: {  	v5 =	vor.u32 $0xC000, v1;
	v6 =	vor.u32 $0x10000, v1;
	v7 =	vor.u32 $0x14000, v1;
	s9 =	simm.s32 $0x800;
	s8 =	simm.s32 $0x400;
	s6 =	sadd.s32 $0x1600, s6  }
.LBB2_12:
0xf: {  	_ =	sdelay $0x4  }
0x10: {  	[tilespmem:v8+s12+$0x0] =	vst.idx.msk vm0, v9  }
.LBB2_13:
0x11: {  	s15 =	sadd.s32 $0x1, s15  }
0x12: {  	p0 =	sne.s32 s15, s7  }
.Ltmp1:
0x13: {  	_ = 	snop;
	(pc) =	sbr.rel @!p0 .LBB2_14-.Ltmp1, $4  }
0x14: {  	[hbm4b:s6+s13] =	stream.strided.scatter [tilespmem:s12], [sflag:$0x2], $0x300, s8, s13, $0x38;
	[tilespmem:$0x18F00] =	vst v63  }
0x15: {  	_ =	swait.ge [sflag:s14], $0x300  }
0x16: {  	[sflag:s14] =	ssyncset.done $0x0  }
0x17: {  	[sflag:s14] =	ssyncadd.s32 $0xFFFFFD00  }
.LBB2_1:
0x18: {  	[tilespmem:s2], [sflag:$0x1] =	stream.linear.gather [hbm4b:s3+s2], $0x400, $0x38;
	[tilespmem:$0x18F00] =	vst v63  }
0x19: {  	_ = 	snop  }
0x1a: {  	[tilespmem:s8], [sflag:$0x1] =	stream.linear.gather [hbm4b:s4+s2], $0x400, $0x38;
	[tilespmem:$0x18F00] =	vst v63  }
0x1b: {  	s16 =	simm.s32 $0x18C40  }
0x1c: {  	[tilespmem:s9], [sflag:$0x1] =	stream.linear.gather [hbm4b:s5+s2], $0x400, $0x38;
	[tilespmem:$0x18F00] =	vst v63  }
0x1d: {  	[tilespmem:s16+$0xFFFFFFC0] =	vst v0  }
0x1e: {  	[tilespmem:s16+$0x30] =	vst v0  }
0x1f: {  	[tilespmem:s16+$0x20] =	vst v0  }
0x20: {  	[tilespmem:s16+$0x10] =	vst v0  }
0x21: {  	[tilespmem:s16+$0x0] =	vst v0  }
0x22: {  	[tilespmem:s16+$0xFFFFFFF0] =	vst v0  }
0x23: {  	s17 =	simm.s32 $0x0;
	[tilespmem:s16+$0xFFFFFFE0] =	vst v0  }
.LBB2_2:
0x24: {  	s17 =	sadd.s32 $0x8, s17;
	[tilespmem:s16+$0xFFFFFFD0] =	vst v0;
	s16 =	sadd.s32 $0x80, s16  }
0x25: {  	[tilespmem:s16+$0xFFFFFFC0] =	vst v0;
	p0 =	slt.u32 s17, $0x28  }
0x26: {  	[tilespmem:s16+$0x30] =	vst v0  }
.Ltmp2:
0x27: {  	[tilespmem:s16+$0x20] =	vst v0;
	(pc) =	sbr.rel @p0 .LBB2_2-.Ltmp2, $4  }
0x28: {  	[tilespmem:s16+$0x10] =	vst v0  }
0x29: {  	[tilespmem:s16+$0x0] =	vst v0  }
0x2a: {  	[tilespmem:s16+$0xFFFFFFF0] =	vst v0  }
0x2b: {  	[tilespmem:s16+$0xFFFFFFE0] =	vst v0  }
0x2c: {  	[tilespmem:s16+$0xFFFFFFD0] =	vst v0  }
0x2d: {  	_ =	swait.ge [sflag:s10], $0x400  }
0x2e: {  	[sflag:s10] =	ssyncset.done $0x0  }
0x2f: {  	[sflag:s10] =	ssyncadd.s32 $0xFFFFFC00  }
0x30: {  	_ =	swait.ge [sflag:s10], $0x400  }
0x31: {  	[sflag:s10] =	ssyncset.done $0x0  }
0x32: {  	[sflag:s10] =	ssyncadd.s32 $0xFFFFFC00  }
0x33: {  	_ =	swait.ge [sflag:s10], $0x400  }
0x34: {  	[sflag:s10] =	ssyncset.done $0x0  }
0x35: {  	[sflag:s10] =	ssyncadd.s32 $0xFFFFFC00  }
0x36: {  	v8 =	vld [tilespmem:$0x800]  }
0x37: {  	v9 =	vld [tilespmem:$0xBF0];
	_ =	sdelay $0x3  }
0x38: {  	v8 =	vxor.u32 $0x80000000, v8  }
0x39: {  	(xrf0) =	vmin.scan.msk.u32 $0xffff, v8;
	v8 =	vxor.u32 $0x80000000, v9  }
0x3a: {  	(xrf0) =	vmax.scan.msk.u32 $0xffff, v8;
	_ =	sdelay $0x4  }
0x3b: {  	v8, _, _ =	vpop (xrf0)  }
0x3c: {  	(v2sf) =	vpush v8, $0xF;
	v8, _, _ =	vpop (xrf0)  }
0x3d: {  	(v2sf) =	vpush v8, $0xF;
	_ =	sdelay $0xd  }
0x3e: {  	s19 =	spop (v2sf)  }
0x3f: {  	s20 =	spop (v2sf)  }
0x40: {  	s17 =	sxor.u32 $0x80000000, s19;
	s16 =	sadd.s32 $0x80000001, s20  }
0x41: {  	p0 =	sge.s32 s17, s16  }
.Ltmp3:
0x42: {  	_ = 	snop;
	(pc) =	sbr.rel @p0 .LBB2_7-.Ltmp3, $3  }
0x43: {  	_ =	sdelay $0x1  }
0x44: {  	s18 =	sshll.u32 s19, $0x9  }
0x45: {  	s18 =	sshra.s32 s18, $0x2  }
0x46: {  	s19 =	ssub.s32 s20, s19  }
0x47: {  	s20 =	sadd.s32 $0x1, s19  }
0x48: {  	s19 =	sadd.s32 $0x14C00, s18;
	p1 =	seq.s32 s20, $0x1  }
.Ltmp4:
0x49: {  	[tilespmem:s19+$0xFFFEC000] =	vst v0;
	(pc) =	sbr.rel @p1 .LBB2_6-.Ltmp4, $4  }
0x4a: {  	[tilespmem:s19+$0x0] =	vst v0  }
0x4b: {  	[tilespmem:s19+$0xFFFFC000] =	vst v0  }
0x4c: {  	[tilespmem:s19+$0xFFFF8000] =	vst v0  }
0x4d: {  	s20 =	sadd.s32 $0xFFFFFFFF, s20;
	[tilespmem:s19+$0xFFFF4000] =	vst v0  }
.LBB2_5:
0x4e: {  	p1 =	seq.s32 s20, $0x1;
	s20 =	sadd.s32 $0xFFFFFFFF, s20;
	[tilespmem:s19+$0xFFFF0000] =	vst v0;
	s19 =	sadd.s32 $0x80, s19  }
.Ltmp5:
0x4f: {  	[tilespmem:s19+$0xFFFEC000] =	vst v0;
	(pc) =	sbr.rel @!p1 .LBB2_5-.Ltmp5, $4  }
0x50: {  	[tilespmem:s19+$0x0] =	vst v0  }
0x51: {  	[tilespmem:s19+$0xFFFFC000] =	vst v0  }
0x52: {  	[tilespmem:s19+$0xFFFF8000] =	vst v0  }
0x53: {  	[tilespmem:s19+$0xFFFF4000] =	vst v0  }
.LBB2_6:
0x54: {  	[tilespmem:s19+$0xFFFF0000] =	vst v0  }
.LBB2_7:
0x55: {  	s21 =	simm.s32 $0x820  }
0x56: {  	v8 =	vld [tilespmem:s21+$0x10];
	_ =	sdelay $0x1  }
0x57: {  	v9 =	vld [tilespmem:s21+$0xFFFFFFE0]  }
0x58: {  	v10 =	vld [tilespmem:s21+$0xFFFFFFF0]  }
0x59: {  	s20 =	simm.s32 $0x20;
	v11 =	vld [tilespmem:s21+$0x0]  }
0x5a: {  	s19 =	simm.s32 $0x420;
	v13 =	vld [tilespmem:s20+$0x10];
	v8 =	vshll.u32 v8, $0x7  }
0x5b: {  	v15 =	vld [tilespmem:s19+$0x10];
	v12 =	vor.u32 v1, v8  }
0x5c: {  	v17 =	vld [tilespmem:s19+$0xFFFFFFE0];
	v14 =	vadd.s32 v3, v8  }
0x5d: {  	v19 =	vld [tilespmem:s20+$0xFFFFFFF0];
	v16 =	vadd.s32 v4, v8  }
0x5e: {  	v57 =	vld [tilespmem:s19+$0x0];
	v18 =	vadd.s32 v5, v8  }
0x5f: {  	v21 =	vld [tilespmem:s20+$0xFFFFFFE0];
	v11 =	vshll.u32 v11, $0x7  }
0x60: {  	v61 =	vor.u32 v1, v11;
	[tilespmem:v12+s11+$0x0] =	vst.idx.add.f32.msk $0xffff, v2  }
0x61: {  	v20 =	vadd.s32 v6, v8;
	v12 =	vmul.f32 v13, v13;
	[tilespmem:v14+s11+$0x0] =	vst.idx.add.f32.msk $0xffff, v13  }
0x62: {  	v8 =	vadd.s32 v7, v8;
	[tilespmem:v16+s11+$0x0] =	vst.idx.add.f32.msk $0xffff, v15  }
0x63: {  	v9 =	vshll.u32 v9, $0x7;
	[tilespmem:v18+s11+$0x0] =	vst.idx.add.f32.msk $0xffff, v12  }
0x64: {  	v14 =	vmul.f32 v15, v15;
	v12 =	vmul.f32 v15, v13;
	v13 =	vor.u32 v1, v9;
	v15 =	vld [tilespmem:s20+$0x0]  }
0x65: {  	v62 =	vadd.s32 v3, v11;
	[tilespmem:v61+s11+$0x0] =	vst.idx.add.f32.msk $0xffff, v2  }
0x66: {  	v58 =	vadd.s32 v3, v9;
	[tilespmem:v20+s11+$0x0] =	vst.idx.add.f32.msk $0xffff, v14  }
0x67: {  	v10 =	vshll.u32 v10, $0x7;
	v63 =	vadd.s32 v4, v11;
	[tilespmem:v8+s11+$0x0] =	vst.idx.add.f32.msk $0xffff, v12  }
0x68: {  	v8 =	vor.u32 v1, v10;
	v12 =	vld [tilespmem:s19+$0xFFFFFFF0]  }
0x69: {  	v22 =	vadd.s32 v4, v9;
	[tilespmem:v13+s11+$0x0] =	vst.idx.add.f32.msk $0xffff, v2  }
0x6a: {  	v14 =	vadd.s32 v3, v10;
	[tilespmem:v62+s11+$0x0] =	vst.idx.add.f32.msk $0xffff, v15  }
0x6b: {  	v56 =	vadd.s32 v4, v10;
	[tilespmem:v58+s11+$0x0] =	vst.idx.add.f32.msk $0xffff, v21  }
0x6c: {  	v13 =	vadd.s32 v5, v9;
	[tilespmem:v63+s11+$0x0] =	vst.idx.add.f32.msk $0xffff, v57  }
0x6d: {  	[tilespmem:v8+s11+$0x0] =	vst.idx.add.f32.msk $0xffff, v2;
	v8 =	vadd.s32 v6, v9  }
0x6e: {  	v9 =	vadd.s32 v7, v9;
	[tilespmem:v22+s11+$0x0] =	vst.idx.add.f32.msk $0xffff, v17  }
0x6f: {  	v59 =	vmul.f32 v21, v21;
	[tilespmem:v14+s11+$0x0] =	vst.idx.add.f32.msk $0xffff, v19;
	v14 =	vadd.s32 v5, v10  }
0x70: {  	v60 =	vmul.f32 v17, v17;
	v23 =	vadd.s32 v6, v10;
	[tilespmem:v56+s11+$0x0] =	vst.idx.add.f32.msk $0xffff, v12  }
0x71: {  	v17 =	vmul.f32 v17, v21;
	v10 =	vadd.s32 v7, v10;
	[tilespmem:v13+s11+$0x0] =	vst.idx.add.f32.msk $0xffff, v59  }
0x72: {  	v13 =	vmul.f32 v19, v19;
	[tilespmem:v8+s11+$0x0] =	vst.idx.add.f32.msk $0xffff, v60  }
0x73: {  	v8 =	vmul.f32 v12, v12;
	[tilespmem:v9+s11+$0x0] =	vst.idx.add.f32.msk $0xffff, v17  }
0x74: {  	v9 =	vmul.f32 v12, v19;
	[tilespmem:v14+s11+$0x0] =	vst.idx.add.f32.msk $0xffff, v13  }
0x75: {  	v12 =	vmul.f32 v15, v15;
	[tilespmem:v23+s11+$0x0] =	vst.idx.add.f32.msk $0xffff, v8  }
0x76: {  	v13 =	vmul.f32 v57, v57;
	v8 =	vadd.s32 v7, v11;
	[tilespmem:v10+s11+$0x0] =	vst.idx.add.f32.msk $0xffff, v9  }
0x77: {  	s22 =	simm.s32 $0x860;
	s21 =	simm.s32 $0x0;
	v10 =	vadd.s32 v5, v11;
	v9 =	vadd.s32 v6, v11;
	v11 =	vmul.f32 v57, v15  }
.LBB2_8:
0x78: {  	v14 =	vld [tilespmem:s22+$0x10]  }
0x79: {  	v15 =	vld [tilespmem:s22+$0xFFFFFFE0]  }
0x7a: {  	v16 =	vld [tilespmem:s22+$0xFFFFFFF0]  }
0x7b: {  	v17 =	vld [tilespmem:s22+$0x0]  }
0x7c: {  	[tilespmem:v10+s11+$0x0] =	vst.idx.add.f32.msk $0xffff, v12  }
0x7d: {  	s21 =	sadd.s32 $0x4, s21;
	v10 =	vshll.u32 v14, $0x7;
	[tilespmem:v9+s11+$0x0] =	vst.idx.add.f32.msk $0xffff, v13  }
0x7e: {  	s20 =	sadd.s32 $0x40, s20;
	p1 =	slt.u32 s21, $0x3C;
	v9 =	vshll.u32 v15, $0x7;
	v12 =	vor.u32 v1, v10;
	[tilespmem:v8+s11+$0x0] =	vst.idx.add.f32.msk $0xffff, v11  }
0x7f: {  	s19 =	sadd.s32 $0x40, s19;
	v14 =	vadd.s32 v3, v10;
	v11 =	vor.u32 v1, v9;
	v8 =	vshll.u32 v16, $0x7;
	v13 =	vld [tilespmem:s20+$0x10]  }
0x80: {  	v18 =	vadd.s32 v4, v10;
	v15 =	vadd.s32 v3, v9;
	v16 =	vshll.u32 v17, $0x7;
	v17 =	vld [tilespmem:s19+$0x10]  }
0x81: {  	v22 =	vadd.s32 v5, v10;
	v20 =	vadd.s32 v4, v9;
	v21 =	vadd.s32 v5, v9;
	v19 =	vld [tilespmem:s19+$0xFFFFFFE0]  }
0x82: {  	v23 =	vadd.s32 v6, v9;
	v24 =	vadd.s32 v7, v9;
	v9 =	vadd.s32 v6, v10;
	v25 =	vld [tilespmem:s20+$0xFFFFFFF0]  }
0x83: {  	v10 =	vadd.s32 v7, v10;
	v26 =	vor.u32 v1, v8;
	[tilespmem:v12+s11+$0x0] =	vst.idx.add.f32.msk $0xffff, v2  }
0x84: {  	v12 =	vadd.s32 v3, v8;
	[tilespmem:v14+s11+$0x0] =	vst.idx.add.f32.msk $0xffff, v13;
	v14 =	vmul.f32 v13, v13  }
0x85: {  	v27 =	vadd.s32 v4, v8;
	[tilespmem:v18+s11+$0x0] =	vst.idx.add.f32.msk $0xffff, v17;
	v18 =	vmul.f32 v17, v17  }
0x86: {  	v13 =	vmul.f32 v17, v13;
	v28 =	vmul.f32 v19, v19;
	[tilespmem:v22+s11+$0x0] =	vst.idx.add.f32.msk $0xffff, v14  }
0x87: {  	v17 =	vadd.s32 v5, v8;
	v14 =	vmul.f32 v25, v25;
	[tilespmem:v9+s11+$0x0] =	vst.idx.add.f32.msk $0xffff, v18  }
0x88: {  	v22 =	vadd.s32 v7, v8;
	v18 =	vadd.s32 v6, v8;
	[tilespmem:v10+s11+$0x0] =	vst.idx.add.f32.msk $0xffff, v13  }
0x89: {  	v29 =	vor.u32 v1, v16;
	v30 =	vadd.s32 v3, v16;
	v31 =	vadd.s32 v4, v16;
	v13 =	vld [tilespmem:s19+$0xFFFFFFF0]  }
0x8a: {  	v9 =	vadd.s32 v6, v16;
	v8 =	vadd.s32 v7, v16;
	v10 =	vadd.s32 v5, v16;
	v32 =	vld [tilespmem:s20+$0x0]  }
0x8b: {  	v16 =	vld [tilespmem:s19+$0x0]  }
0x8c: {  	v33 =	vld [tilespmem:s20+$0xFFFFFFE0]  }
0x8d: {  	[tilespmem:v11+s11+$0x0] =	vst.idx.add.f32.msk $0xffff, v2  }
0x8e: {  	[tilespmem:v26+s11+$0x0] =	vst.idx.add.f32.msk $0xffff, v2;
	v26 =	vmul.f32 v13, v13;
	v34 =	vmul.f32 v13, v25  }
0x8f: {  	[tilespmem:v12+s11+$0x0] =	vst.idx.add.f32.msk $0xffff, v25;
	v12 =	vmul.f32 v32, v32  }
0x90: {  	[tilespmem:v27+s11+$0x0] =	vst.idx.add.f32.msk $0xffff, v13;
	v13 =	vmul.f32 v16, v16;
	v11 =	vmul.f32 v16, v32  }
0x91: {  	[tilespmem:v15+s11+$0x0] =	vst.idx.add.f32.msk $0xffff, v33;
	v15 =	vmul.f32 v33, v33;
	v25 =	vmul.f32 v19, v33  }
0x92: {  	[tilespmem:v20+s11+$0x0] =	vst.idx.add.f32.msk $0xffff, v19  }
0x93: {  	[tilespmem:v21+s11+$0x0] =	vst.idx.add.f32.msk $0xffff, v15  }
0x94: {  	[tilespmem:v23+s11+$0x0] =	vst.idx.add.f32.msk $0xffff, v28  }
0x95: {  	[tilespmem:v24+s11+$0x0] =	vst.idx.add.f32.msk $0xffff, v25  }
0x96: {  	[tilespmem:v17+s11+$0x0] =	vst.idx.add.f32.msk $0xffff, v14  }
.Ltmp6:
0x97: {  	[tilespmem:v18+s11+$0x0] =	vst.idx.add.f32.msk $0xffff, v26;
	(pc) =	sbr.rel @p1 .LBB2_8-.Ltmp6, $4  }
0x98: {  	[tilespmem:v22+s11+$0x0] =	vst.idx.add.f32.msk $0xffff, v34  }
0x99: {  	[tilespmem:v29+s11+$0x0] =	vst.idx.add.f32.msk $0xffff, v2  }
0x9a: {  	[tilespmem:v30+s11+$0x0] =	vst.idx.add.f32.msk $0xffff, v32  }
0x9b: {  	s22 =	sadd.s32 $0x40, s22;
	[tilespmem:v31+s11+$0x0] =	vst.idx.add.f32.msk $0xffff, v16  }
0x9c: {  	_ =	sdelay $0x1  }
.Ltmp7:
0x9d: {  	_ = 	snop;
	(pc) =	sbr.rel @p0 .LBB2_13-.Ltmp7, $4  }
0x9e: {  	_ = 	snop  }
0x9f: {  	[tilespmem:v10+s11+$0x0] =	vst.idx.add.f32.msk $0xffff, v12  }
0xa0: {  	[tilespmem:v9+s11+$0x0] =	vst.idx.add.f32.msk $0xffff, v13  }
0xa1: {  	[tilespmem:v8+s11+$0x0] =	vst.idx.add.f32.msk $0xffff, v11  }
0xa2: {  	s18 =	sadd.s32 $0x14C00, s18  }
0xa3: {  	v8 =	vld [tilespmem:s18+$0xFFFEC000];
	_ =	sdelay $0x4  }
0xa4: {  	(xrf2) =	vadd.scan.msk.f32 $0xffff, v8;
	_ =	sdelay $0x5  }
0xa5: {  	v8 =	vmov s17;
	_ =	sdelay $0x3  }
0xa6: {  	v9, _, _ =	vpop (xrf2)  }
0xa7: {  	[tilespmem:v8+s12+$0x0] =	vst.idx.msk vm0, v9  }
0xa8: {  	v8 =	vld [tilespmem:s18+$0xFFFF0000];
	_ =	sdelay $0x4  }
0xa9: {  	(xrf2) =	vadd.scan.msk.f32 $0xffff, v8;
	_ =	sdelay $0x4  }
0xaa: {  	s19 =	sadd.s32 $0x80, s17  }
0xab: {  	v8 =	vmov s19;
	_ =	sdelay $0x3  }
0xac: {  	v9, _, _ =	vpop (xrf2)  }
0xad: {  	[tilespmem:v8+s12+$0x0] =	vst.idx.msk vm0, v9  }
0xae: {  	v8 =	vld [tilespmem:s18+$0xFFFF4000];
	_ =	sdelay $0x4  }
0xaf: {  	(xrf2) =	vadd.scan.msk.f32 $0xffff, v8;
	_ =	sdelay $0x4  }
0xb0: {  	s28 =	sadd.s32 $0x100, s17  }
0xb1: {  	v8 =	vmov s28;
	_ =	sdelay $0x3  }
0xb2: {  	v9, _, _ =	vpop (xrf2)  }
0xb3: {  	[tilespmem:v8+s12+$0x0] =	vst.idx.msk vm0, v9  }
0xb4: {  	v8 =	vld [tilespmem:s18+$0xFFFF8000];
	_ =	sdelay $0x4  }
0xb5: {  	(xrf2) =	vadd.scan.msk.f32 $0xffff, v8;
	_ =	sdelay $0x4  }
0xb6: {  	s29 =	sadd.s32 $0x180, s17  }
0xb7: {  	v8 =	vmov s29;
	_ =	sdelay $0x3  }
0xb8: {  	v9, _, _ =	vpop (xrf2)  }
0xb9: {  	[tilespmem:v8+s12+$0x0] =	vst.idx.msk vm0, v9  }
0xba: {  	v8 =	vld [tilespmem:s18+$0xFFFFC000];
	_ =	sdelay $0x4  }
0xbb: {  	(xrf2) =	vadd.scan.msk.f32 $0xffff, v8;
	_ =	sdelay $0x4  }
0xbc: {  	s30 =	sadd.s32 $0x200, s17  }
0xbd: {  	v8 =	vmov s30;
	_ =	sdelay $0x3  }
0xbe: {  	v9, _, _ =	vpop (xrf2)  }
0xbf: {  	[tilespmem:v8+s12+$0x0] =	vst.idx.msk vm0, v9  }
0xc0: {  	v8 =	vld [tilespmem:s18+$0x0];
	_ =	sdelay $0x4  }
0xc1: {  	(xrf2) =	vadd.scan.msk.f32 $0xffff, v8;
	_ =	sdelay $0x3  }
0xc2: {  	s19 =	sadd.s32 $0x1, s17  }
0xc3: {  	s31 =	sadd.s32 $0x280, s17;
	p0 =	sne.s32 s19, s16  }
.Ltmp8:
0xc4: {  	v8 =	vmov s31;
	(pc) =	sbr.rel @!p0 .LBB2_12-.Ltmp8, $2  }
0xc5: {  	_ =	sdelay $0x2  }
0xc6: {  	v9, _, _ =	vpop (xrf2)  }
.LBB2_11:
0xc7: {  	[tilespmem:v8+s12+$0x0] =	vst.idx.msk vm0, v9;
	s18 =	sadd.s32 $0x80, s18;
	s17 =	smov.u32 s19;
	s19 =	sadd.s32 $0x1, s19  }
0xc8: {  	v8 =	vld [tilespmem:s18+$0xFFFEC000];
	p0 =	sne.s32 s19, s16;
	_ =	sdelay $0x4  }
0xc9: {  	(xrf2) =	vadd.scan.msk.f32 $0xffff, v8;
	_ =	sdelay $0x5  }
0xca: {  	v8 =	vmov s17;
	_ =	sdelay $0x3  }
0xcb: {  	v9, _, _ =	vpop (xrf2)  }
0xcc: {  	[tilespmem:v8+s12+$0x0] =	vst.idx.msk vm0, v9  }
0xcd: {  	v8 =	vld [tilespmem:s18+$0xFFFF0000];
	_ =	sdelay $0x4  }
0xce: {  	(xrf2) =	vadd.scan.msk.f32 $0xffff, v8;
	_ =	sdelay $0x4  }
0xcf: {  	s20 =	sadd.s32 $0x80, s17  }
0xd0: {  	v8 =	vmov s20;
	_ =	sdelay $0x3  }
0xd1: {  	v9, _, _ =	vpop (xrf2)  }
0xd2: {  	[tilespmem:v8+s12+$0x0] =	vst.idx.msk vm0, v9  }
0xd3: {  	v8 =	vld [tilespmem:s18+$0xFFFF4000];
	_ =	sdelay $0x4  }
0xd4: {  	(xrf2) =	vadd.scan.msk.f32 $0xffff, v8;
	_ =	sdelay $0x4  }
0xd5: {  	s20 =	sadd.s32 $0x100, s17  }
0xd6: {  	v8 =	vmov s20;
	_ =	sdelay $0x3  }
0xd7: {  	v9, _, _ =	vpop (xrf2)  }
0xd8: {  	[tilespmem:v8+s12+$0x0] =	vst.idx.msk vm0, v9  }
0xd9: {  	v8 =	vld [tilespmem:s18+$0xFFFF8000];
	_ =	sdelay $0x4  }
0xda: {  	(xrf2) =	vadd.scan.msk.f32 $0xffff, v8;
	_ =	sdelay $0x4  }
0xdb: {  	s20 =	sadd.s32 $0x180, s17  }
0xdc: {  	v8 =	vmov s20;
	_ =	sdelay $0x3  }
0xdd: {  	v9, _, _ =	vpop (xrf2)  }
0xde: {  	[tilespmem:v8+s12+$0x0] =	vst.idx.msk vm0, v9  }
0xdf: {  	v8 =	vld [tilespmem:s18+$0xFFFFC000];
	_ =	sdelay $0x4  }
0xe0: {  	(xrf2) =	vadd.scan.msk.f32 $0xffff, v8;
	_ =	sdelay $0x4  }
0xe1: {  	s20 =	sadd.s32 $0x200, s17  }
0xe2: {  	v8 =	vmov s20;
	_ =	sdelay $0x3  }
0xe3: {  	v9, _, _ =	vpop (xrf2)  }
0xe4: {  	[tilespmem:v8+s12+$0x0] =	vst.idx.msk vm0, v9  }
0xe5: {  	v8 =	vld [tilespmem:s18+$0x0];
	_ =	sdelay $0x4  }
0xe6: {  	(xrf2) =	vadd.scan.msk.f32 $0xffff, v8;
	_ =	sdelay $0x4  }
0xe7: {  	s17 =	sadd.s32 $0x280, s17  }
.Ltmp9:
0xe8: {  	v8 =	vmov s17;
	(pc) =	sbr.rel @p0 .LBB2_11-.Ltmp9, $2  }
0xe9: {  	_ =	sdelay $0x2  }
0xea: {  	v9, _, _ =	vpop (xrf2)  }
.Ltmp10:
0xeb: {  	_ = 	snop;
	(pc) =	sbr.rel .LBB2_12-.Ltmp10, $1  }
0xec: {  	_ =	sdelay $0x3  }
.LBB2_14:
0xed: {  	_ =	sfence.sel $0x180000  }
0xee: {  	[bflag:$0x0] =	sbarrier.arrive $0xFFFF  }
0xef: {  	p0 =	sne.s32 s0, $0x0;
	_ =	strace $0x90000047  }
0xf0: {  	s0 =	sadd.s32 @!p0 $0x100000, s1;
	[bflag:$0x2] =	sbarrier.arrive $0xFFFF  }
0xf1: {  	[sflag:s0] =	ssyncadd.tile.s32 @!p0 $0x1;
	_ =	shalt  }
.Lfunc_end2:
_tile_overlayer_lowered:
.L_overlay_start_2:
0xf2: {  	(tag) =	ssettag $0x2  }
0xf3: {  	s0 =	rddreg [dreg:$0x0];
	s2 =	stileid.u32  }
0xf4: {  	s1 =	rddreg [dreg:$0x1];
	p0 =	sne.s32 s2, $0x0  }
0xf5: {  	s3 =	rddreg [dreg:$0x2];
	[bflag:$0x3] =	sbarrier.arrive $0xFFFF;
	s2 =	simm.s32 @!p0 $0x1C02  }
0xf6: {  	[timem:s3], [sflag:s2] =	dma.local @!p0 [hbm:s0], s1  }
0xf7: {  	s0 =	simm.s32 @!p0 $0x2  }
0xf8: {  	_ =	swait.ge @!p0 [sflag:s0], s1  }
0xf9: {  	s1 =	ssub.s32 @!p0 $0x0, s1;
	[sflag:s0] =	ssyncset.done @!p0 $0x0  }
0xfa: {  	[sflag:s0] =	ssyncadd.s32 @!p0 s1  }
0xfb: {  	[bflag:$0x3] =	sbarrier.arrive $0xFFFF  }
0xfc: {  	_ =	shalt  }

</sc_bundles>
